<compile_context>
chip_gen: v7x
topology: tpu7x:2x2x1
jax: 0.10.2.dev20260603
libtpu: 0.0.44.dev20260713+nightly
codegen_flags: <defaults>
</compile_context>

<pallas_src>
import functools

import jax
import jax.numpy as jnp
from jax import lax
from jax.experimental import pallas as pl
from jax.experimental.pallas import tpu as pltpu
from jax.experimental.pallas import tpu_sc as plsc

_NC = 2
_NS = 16
_NW = _NC * _NS
_LANES = 16
_EPS = 1e-5


def _u_body(xT_ref, Wt_ref, u_ref):
    u_ref[...] = jnp.dot(xT_ref[...], Wt_ref[...],
                         preferred_element_type=jnp.float32)


def _node_transform(xT, Wt, blk=1000):
    n, f = xT.shape
    return pl.pallas_call(
        _u_body,
        grid=(n // blk,),
        in_specs=[pl.BlockSpec((blk, f), lambda i: (i, 0)),
                  pl.BlockSpec((f, f), lambda i: (0, 0))],
        out_specs=pl.BlockSpec((blk, f), lambda i: (i, 0)),
        out_shape=jax.ShapeDtypeStruct((n, f), jnp.float32),
    )(xT, Wt)


def _make_finalize(num_edges):
    def _finalize_body(sp_ref, qp_ref, w_ref, a_ref, b_ref):
        wv = w_ref[0, 0]
        s = jnp.sum(sp_ref[...], axis=0, keepdims=True)
        q = jnp.sum(qp_ref[...], axis=0, keepdims=True)
        m = s / num_edges
        var = (wv * wv) * (q / num_edges - m * m)
        rstd = 1.0 / jnp.sqrt(var + _EPS)
        a_ref[...] = wv * rstd
        b_ref[...] = -(wv * m) * rstd
    return _finalize_body


def _finalize(sp, qp, w_arr, num_edges):
    nw, f = sp.shape
    return pl.pallas_call(
        _make_finalize(num_edges),
        in_specs=[pl.BlockSpec((nw, f), lambda: (0, 0)),
                  pl.BlockSpec((nw, f), lambda: (0, 0)),
                  pl.BlockSpec(memory_space=pltpu.SMEM)],
        out_specs=[pl.BlockSpec((1, f), lambda: (0, 0)),
                   pl.BlockSpec((1, f), lambda: (0, 0))],
        out_shape=[jax.ShapeDtypeStruct((1, f), jnp.float32),
                   jax.ShapeDtypeStruct((1, f), jnp.float32)],
    )(sp, qp, w_arr)


def _out_body(r_ref, w2_ref, wv_ref, o_ref):
    wv = wv_ref[0, 0]
    o_ref[...] = wv * jnp.dot(r_ref[...], w2_ref[...],
                              preferred_element_type=jnp.float32)


def _node_output(r_full, W, w_arr, blk=1000):
    n, f = r_full.shape
    return pl.pallas_call(
        _out_body,
        grid=(n // blk,),
        in_specs=[pl.BlockSpec((blk, f), lambda i: (i, 0)),
                  pl.BlockSpec((f, f), lambda i: (0, 0)),
                  pl.BlockSpec(memory_space=pltpu.SMEM)],
        out_specs=pl.BlockSpec((blk, f), lambda i: (i, 0)),
        out_shape=jax.ShapeDtypeStruct((n, f), jnp.float32),
    )(r_full, W, w_arr)


def _make_stats(n, f, e, ch):
    per_w = e // _NW
    n_ch = per_w // ch
    ng = f // _LANES
    mesh = plsc.VectorSubcoreMesh(core_axis_name="c", subcore_axis_name="s")

    @functools.partial(
        pl.kernel,
        mesh=mesh,
        out_type=[jax.ShapeDtypeStruct((_NW * f,), jnp.float32),
                  jax.ShapeDtypeStruct((_NW * f,), jnp.float32)],
        scratch_types=[
            pltpu.VMEM((ch,), jnp.int32),
            pltpu.VMEM((ch,), jnp.int32),
            pltpu.VMEM((ch, f), jnp.float32),
            pltpu.VMEM((ch, f), jnp.float32),
            pltpu.VMEM((f,), jnp.float32),
            pltpu.VMEM((f,), jnp.float32),
            pltpu.SemaphoreType.DMA,
            pltpu.SemaphoreType.DMA,
        ],
    )
    def stats(u_hbm, ii_hbm, jj_hbm, s_out, q_out,
              ii_v, jj_v, gi_v, gj_v, s_v, q_v, sem1, sem2):
        cid = lax.axis_index("c")
        sid = lax.axis_index("s")
        wid = sid * _NC + cid
        base = wid * per_w

        def chunk_body(c, carry):
            off = base + c * ch
            pltpu.sync_copy(ii_hbm.at[pl.ds(off, ch)], ii_v)
            pltpu.sync_copy(jj_hbm.at[pl.ds(off, ch)], jj_v)
            cp1 = pltpu.async_copy(u_hbm.at[ii_v], gi_v, sem1)
            cp2 = pltpu.async_copy(u_hbm.at[jj_v], gj_v, sem2)
            cp1.wait()
            cp2.wait()

            def edge_body(ei, acc):
                sa, qa = acc
                new_s = []
                new_q = []
                for g in range(ng):
                    sl = pl.ds(g * _LANES, _LANES)
                    d = gi_v[ei, sl] - gj_v[ei, sl]
                    new_s.append(sa[g] + d)
                    new_q.append(qa[g] + d * d)
                return (tuple(new_s), tuple(new_q))

            return lax.fori_loop(0, ch, edge_body, carry)

        zero = jnp.zeros((_LANES,), jnp.float32)
        init = (tuple(zero for _ in range(ng)), tuple(zero for _ in range(ng)))
        s_fin, q_fin = lax.fori_loop(0, n_ch, chunk_body, init)
        for g in range(ng):
            sl = pl.ds(g * _LANES, _LANES)
            s_v[sl] = s_fin[g]
            q_v[sl] = q_fin[g]
        pltpu.sync_copy(s_v, s_out.at[pl.ds(wid * f, f)])
        pltpu.sync_copy(q_v, q_out.at[pl.ds(wid * f, f)])

    return stats


def _make_edge_pass(n, f, e, ch):
    fh = f // _NC
    per_t = e // _NS
    n_ch = per_t // ch
    ng = fh // _LANES
    cp_rows = 200
    n_cp_total = n // cp_rows
    n_cp_iters = -(-n_cp_total // _NS)
    mesh = plsc.VectorSubcoreMesh(core_axis_name="c", subcore_axis_name="s")

    @functools.partial(
        pl.kernel,
        mesh=mesh,
        out_type=jax.ShapeDtypeStruct((_NC * n, fh), jnp.float32),
        scratch_types=[
            pltpu.VMEM((ch,), jnp.int32),
            pltpu.VMEM((ch,), jnp.int32),
            pltpu.VMEM((ch,), jnp.int32),
            pltpu.VMEM((ch,), jnp.int32),
            pltpu.VMEM((ch, fh), jnp.float32),
            pltpu.VMEM((ch, fh), jnp.float32),
            pltpu.VMEM((ch, fh), jnp.float32),
            pltpu.VMEM((ch, fh), jnp.float32),
            pltpu.VMEM((f,), jnp.float32),
            pltpu.VMEM((f,), jnp.float32),
            pltpu.VMEM((cp_rows, fh), jnp.float32),
            pltpu.VMEM_SHARED((n, fh), jnp.float32),
            pltpu.SemaphoreType.DMA,
            pltpu.SemaphoreType.DMA,
        ],
        compiler_params=pltpu.CompilerParams(use_tc_tiling_on_sc=False),
    )
    def edge_pass(u2_hbm, ii_hbm, jj_hbm, a_hbm, b_hbm, r_out,
                  ii_v, jj_v, iig_v, jjg_v, gi_v, gj_v, r_v, rn_v,
                  a_v, b_v, cp_v, racc, sem1, sem2):
        cid = lax.axis_index("c")
        sid = lax.axis_index("s")
        base = sid * per_t

        zero = jnp.zeros((_LANES,), jnp.float32)

        def zero_row(r, carry):
            for g in range(ng):
                cp_v[r, pl.ds(g * _LANES, _LANES)] = zero
            return carry

        lax.fori_loop(0, cp_rows, zero_row, 0)
        for k in range(n_cp_iters):
            cidx = k * _NS + sid

            @pl.when(cidx < n_cp_total)
            def _zero_chunk():
                pltpu.sync_copy(
                    cp_v, racc.at[pl.ds(cidx * cp_rows, cp_rows)])
        plsc.subcore_barrier()

        pltpu.sync_copy(a_hbm, a_v)
        pltpu.sync_copy(b_hbm, b_v)
        is_lo = cid == 0
        a_regs = []
        b_regs = []
        for g in range(ng):
            lo = pl.ds(g * _LANES, _LANES)
            hi = pl.ds(fh + g * _LANES, _LANES)
            a_regs.append(jnp.where(is_lo, a_v[lo], a_v[hi]))
            b_regs.append(jnp.where(is_lo, b_v[lo], b_v[hi]))

        goff = cid * n

        def chunk_body(c, carry):
            off = base + c * ch
            pltpu.sync_copy(ii_hbm.at[pl.ds(off, ch)], ii_v)
            pltpu.sync_copy(jj_hbm.at[pl.ds(off, ch)], jj_v)
            for g in range(ch // _LANES):
                sl = pl.ds(g * _LANES, _LANES)
                iig_v[sl] = ii_v[sl] + goff
                jjg_v[sl] = jj_v[sl] + goff
            cp1 = pltpu.async_copy(u2_hbm.at[iig_v], gi_v, sem1)
            cp2 = pltpu.async_copy(u2_hbm.at[jjg_v], gj_v, sem2)
            cp1.wait()
            cp2.wait()

            def edge_body(ei, acc):
                for g in range(ng):
                    sl = pl.ds(g * _LANES, _LANES)
                    d = gi_v[ei, sl] - gj_v[ei, sl]
                    t = a_regs[g] * d + b_regs[g]
                    r = jnp.maximum(t, 0.0)
                    r_v[ei, sl] = r
                    rn_v[ei, sl] = zero - r
                return acc

            lax.fori_loop(0, ch, edge_body, 0)
            pltpu.sync_copy(r_v, racc.at[ii_v], add=True)
            pltpu.sync_copy(rn_v, racc.at[jj_v], add=True)
            return carry

        lax.fori_loop(0, n_ch, chunk_body, 0)
        plsc.subcore_barrier()

        for k in range(n_cp_iters):
            cidx = k * _NS + sid

            @pl.when(cidx < n_cp_total)
            def _dump_chunk():
                row0 = cidx * cp_rows
                pltpu.sync_copy(racc.at[pl.ds(row0, cp_rows)], cp_v)
                pltpu.sync_copy(
                    cp_v, r_out.at[pl.ds(cid * n + row0, cp_rows)])

    return edge_pass


def kernel(x, edge_index, W, w):
    b, f_in, n = x.shape
    f = W.shape[0]
    e = edge_index.shape[1]
    ch = 80

    xT = x[0].T
    ii = edge_index[0]
    jj = edge_index[1]
    w_arr = jnp.asarray(w, jnp.float32).reshape(1, 1)

    u = _node_transform(xT, W.T)
    sp, qp = _make_stats(n, f, e, ch)(u, ii, jj)
    sp = sp.reshape(_NW, f)
    qp = qp.reshape(_NW, f)
    a2, b2 = _finalize(sp, qp, w_arr, float(e))
    fh = f // _NC
    u2 = jnp.concatenate([u[:, :fh], u[:, fh:]], axis=0)
    r_parts = _make_edge_pass(n, f, e, ch)(
        u2, ii, jj, a2.reshape(f), b2.reshape(f))
    r_full = jnp.concatenate([r_parts[:n], r_parts[n:]], axis=1)
    out = _node_output(r_full, W, w_arr)
    return out.T.reshape(1, f_in, n)

# --- scband reference (transcript-rebuilt; emitter-appended) ---
"""Pipeline reference for scband-graph-diffusion-layer-23622320128650 (READ-ONLY COPY).

The authoritative reference and input builder live on the scoring server;
editing this copy changes nothing except your own understanding.
"""

import jax, jax.numpy as jnp
import numpy as np

B = 1
N = 10000
E = 320000
NIN = 128
NHID = 128


def setup_inputs(seed: int = 0) -> dict:
    key = jax.random.key(seed)
    k1, k2, k3 = jax.random.split(key, 3)
    x = jax.random.normal(k1, (B, NIN, N), dtype=jnp.float32)
    edge_index = jax.random.randint(k2, (2, E), 0, N, dtype=jnp.int32)
    # learned parameter: Weight [nhid, nIn] ~ rand*0.1 (matches init_weights)
    W = jax.random.uniform(k3, (NHID, NIN), dtype=jnp.float32) * 0.1
    return {"x": x, "edge_index": edge_index, "W": W, "w": jnp.float32(1.0)}


def _instance_norm(z, eps=1e-5):
    # F.instance_norm without affine: normalize over spatial dim per (batch, channel)
    mean = jnp.mean(z, axis=-1, keepdims=True)
    var = jnp.var(z, axis=-1, keepdims=True)  # biased variance, as in torch
    return (z - mean) / jnp.sqrt(var + eps)


def reference(x, edge_index, W, w=1.0):
    # Graph.nodeGrad: per-edge difference of incident node features
    iInd = edge_index[0]
    jInd = edge_index[1]
    g = w * (x[:, :, iInd] - x[:, :, jInd])          # [B, nIn, E]
    z = jnp.matmul(W, g)                              # [B, nhid, E]
    z = _instance_norm(z)
    z = jax.nn.relu(z)
    z = jnp.matmul(W.T, z)                            # [B, nIn, E]
    # Graph.edgeDiv: signed scatter-add back to nodes
    div = jnp.zeros((x.shape[0], z.shape[1], x.shape[2]), dtype=z.dtype)
    div = div.at[:, :, iInd].add(w * z)
    div = div.at[:, :, jInd].add(-w * z)
    return div

if __name__ == "__main__":
    import jax
    _d = setup_inputs()
    print(jax.jit(kernel)(*tuple(_d.values())))

</pallas_src>

<mosaic_0001>
#map = affine_map<(d0, d1) -> (0, 0)>
#map1 = affine_map<(d0, d1) -> (0)>
module attributes {stable_mosaic.version = 14 : i64} {
  func.func @stats(%arg0: i32, %arg1: i32, %arg2: memref<10000x128xf32, #tpu.memory_space<hbm>>, %arg3: memref<320000xi32, #tpu.memory_space<hbm>>, %arg4: memref<320000xi32, #tpu.memory_space<hbm>>, %arg5: memref<4096xf32, #tpu.memory_space<hbm>>, %arg6: memref<4096xf32, #tpu.memory_space<hbm>>, %arg7: memref<80xi32, #tpu.memory_space<vmem>>, %arg8: memref<80xi32, #tpu.memory_space<vmem>>, %arg9: memref<80x128xf32, #tpu.memory_space<vmem>>, %arg10: memref<80x128xf32, #tpu.memory_space<vmem>>, %arg11: memref<128xf32, #tpu.memory_space<vmem>>, %arg12: memref<128xf32, #tpu.memory_space<vmem>>, %arg13: memref<!tpu.dma_semaphore, #tpu.memory_space<semaphore_mem>>, %arg14: memref<!tpu.dma_semaphore, #tpu.memory_space<semaphore_mem>>) attributes {dimension_semantics = [#tpu.dimension_semantics<core_parallel>, #tpu.dimension_semantics<subcore_parallel>], iteration_bounds = array<i64: 2, 16>, scalar_prefetch = 0 : i64, scratch_operands = 8 : i64, tpu.core_type = #tpu.core_type<sc_vector_subcore>, window_params = [{transform_indices = #map}, {transform_indices = #map1}, {transform_indices = #map1}, {transform_indices = #map1}, {transform_indices = #map1}]} {
    %mul3A = arith.constant 2 : i32
    %mul3A_0 = arith.muli %arg1, %mul3A : i32
    %add3A = arith.addi %mul3A_0, %arg0 : i32
    %mul3A_1 = arith.constant 10000 : i32
    %mul3A_2 = arith.muli %add3A, %mul3A_1 : i32
    %broadcast_in_dim3A = arith.constant 0.000000e+00 : f32
    %broadcast_in_dim3A_3 = vector.broadcast %broadcast_in_dim3A : f32 to vector<16xf32>
    %scan3A = arith.constant 0 : i32
    %scan3A_4 = arith.constant 125 : i32
    %scan3A_5 = arith.addi %scan3A, %scan3A_4 : i32
    %scan3A_6 = arith.constant 1 : i32
    %scan3A_7:16 = scf.for %scan3A_76 = %scan3A to %scan3A_5 step %scan3A_6 iter_args(%scan3A_77 = %broadcast_in_dim3A_3, %scan3A_78 = %broadcast_in_dim3A_3, %scan3A_79 = %broadcast_in_dim3A_3, %scan3A_80 = %broadcast_in_dim3A_3, %scan3A_81 = %broadcast_in_dim3A_3, %scan3A_82 = %broadcast_in_dim3A_3, %scan3A_83 = %broadcast_in_dim3A_3, %scan3A_84 = %broadcast_in_dim3A_3, %scan3A_85 = %broadcast_in_dim3A_3, %scan3A_86 = %broadcast_in_dim3A_3, %scan3A_87 = %broadcast_in_dim3A_3, %scan3A_88 = %broadcast_in_dim3A_3, %scan3A_89 = %broadcast_in_dim3A_3, %scan3A_90 = %broadcast_in_dim3A_3, %scan3A_91 = %broadcast_in_dim3A_3, %scan3A_92 = %broadcast_in_dim3A_3) -> (vector<16xf32>, vector<16xf32>, vector<16xf32>, vector<16xf32>, vector<16xf32>, vector<16xf32>, vector<16xf32>, vector<16xf32>, vector<16xf32>, vector<16xf32>, vector<16xf32>, vector<16xf32>, vector<16xf32>, vector<16xf32>, vector<16xf32>, vector<16xf32>)  : i32 {
      %mul3A_93 = arith.constant 80 : i32
      %mul3A_94 = arith.muli %scan3A_76, %mul3A_93 : i32
      %add3A_95 = arith.addi %mul3A_2, %mul3A_94 : i32
      "tpu.region"() ({
        %run_scoped3A = tpu.sem_alloc : memref<!tpu.dma_semaphore, #tpu.memory_space<semaphore_mem>>
        %dma_start3A_112 = tpu.memref_slice %arg3[%add3A_95] : memref<320000xi32, #tpu.memory_space<hbm>> -> memref<80xi32, #tpu.memory_space<hbm>>
        %dma_start3A_113 = tpu.memref_slice %arg3[%add3A_95] : memref<320000xi32, #tpu.memory_space<hbm>> -> memref<80xi32, #tpu.memory_space<hbm>>
        tpu.enqueue_dma source(%dma_start3A_113 : memref<80xi32, #tpu.memory_space<hbm>>) target(%arg7 : memref<80xi32, #tpu.memory_space<vmem>>) target_semaphore(%run_scoped3A : memref<!tpu.dma_semaphore, #tpu.memory_space<semaphore_mem>>)
        %dma_wait3A_114 = tpu.memref_slice %arg3[%add3A_95] : memref<320000xi32, #tpu.memory_space<hbm>> -> memref<80xi32, #tpu.memory_space<hbm>>
        %dma_wait3A_115 = tpu.memref_slice %arg3[%add3A_95] : memref<320000xi32, #tpu.memory_space<hbm>> -> memref<80xi32, #tpu.memory_space<hbm>>
        tpu.wait_dma2 semaphore(%run_scoped3A : memref<!tpu.dma_semaphore, #tpu.memory_space<semaphore_mem>>) src(%dma_wait3A_115 : memref<80xi32, #tpu.memory_space<hbm>>) dst(%arg7 : memref<80xi32, #tpu.memory_space<vmem>>)
        tpu.yield
      }) : () -> ()
      "tpu.region"() ({
        %run_scoped3A = tpu.sem_alloc : memref<!tpu.dma_semaphore, #tpu.memory_space<semaphore_mem>>
        %dma_start3A_112 = tpu.memref_slice %arg4[%add3A_95] : memref<320000xi32, #tpu.memory_space<hbm>> -> memref<80xi32, #tpu.memory_space<hbm>>
        %dma_start3A_113 = tpu.memref_slice %arg4[%add3A_95] : memref<320000xi32, #tpu.memory_space<hbm>> -> memref<80xi32, #tpu.memory_space<hbm>>
        tpu.enqueue_dma source(%dma_start3A_113 : memref<80xi32, #tpu.memory_space<hbm>>) target(%arg8 : memref<80xi32, #tpu.memory_space<vmem>>) target_semaphore(%run_scoped3A : memref<!tpu.dma_semaphore, #tpu.memory_space<semaphore_mem>>)
        %dma_wait3A_114 = tpu.memref_slice %arg4[%add3A_95] : memref<320000xi32, #tpu.memory_space<hbm>> -> memref<80xi32, #tpu.memory_space<hbm>>
        %dma_wait3A_115 = tpu.memref_slice %arg4[%add3A_95] : memref<320000xi32, #tpu.memory_space<hbm>> -> memref<80xi32, #tpu.memory_space<hbm>>
        tpu.wait_dma2 semaphore(%run_scoped3A : memref<!tpu.dma_semaphore, #tpu.memory_space<semaphore_mem>>) src(%dma_wait3A_115 : memref<80xi32, #tpu.memory_space<hbm>>) dst(%arg8 : memref<80xi32, #tpu.memory_space<vmem>>)
        tpu.yield
      }) : () -> ()
      %dma_start3A = arith.constant 0 : i32
      %dma_start3A_96 = arith.constant 0 : i32
      %dma_start3A_97 = tpu.memref_slice %arg2[%dma_start3A, %dma_start3A_96] : memref<10000x128xf32, #tpu.memory_space<hbm>> -> memref<10000x128xf32, #tpu.memory_space<hbm>>
      tpu.enqueue_indirect_dma source(%dma_start3A_97 : memref<10000x128xf32, #tpu.memory_space<hbm>>) target(%arg9 : memref<80x128xf32, #tpu.memory_space<vmem>>) offsets(%arg7 : memref<80xi32, #tpu.memory_space<vmem>>) semaphore(%arg13 : memref<!tpu.dma_semaphore, #tpu.memory_space<semaphore_mem>>)
      %dma_start3A_98 = arith.constant 0 : i32
      %dma_start3A_99 = arith.constant 0 : i32
      %dma_start3A_100 = tpu.memref_slice %arg2[%dma_start3A_98, %dma_start3A_99] : memref<10000x128xf32, #tpu.memory_space<hbm>> -> memref<10000x128xf32, #tpu.memory_space<hbm>>
      tpu.enqueue_indirect_dma source(%dma_start3A_100 : memref<10000x128xf32, #tpu.memory_space<hbm>>) target(%arg10 : memref<80x128xf32, #tpu.memory_space<vmem>>) offsets(%arg8 : memref<80xi32, #tpu.memory_space<vmem>>) semaphore(%arg14 : memref<!tpu.dma_semaphore, #tpu.memory_space<semaphore_mem>>)
      %dma_wait3A = arith.constant 0 : i32
      %dma_wait3A_101 = arith.constant 0 : i32
      %dma_wait3A_102 = tpu.memref_slice %arg2[%dma_wait3A, %dma_wait3A_101] : memref<10000x128xf32, #tpu.memory_space<hbm>> -> memref<10000x128xf32, #tpu.memory_space<hbm>>
      tpu.wait_indirect_dma semaphore(%arg13 : memref<!tpu.dma_semaphore, #tpu.memory_space<semaphore_mem>>) src(%dma_wait3A_102 : memref<10000x128xf32, #tpu.memory_space<hbm>>) dst(%arg9 : memref<80x128xf32, #tpu.memory_space<vmem>>)
      %dma_wait3A_103 = arith.constant 0 : i32
      %dma_wait3A_104 = arith.constant 0 : i32
      %dma_wait3A_105 = tpu.memref_slice %arg2[%dma_wait3A_103, %dma_wait3A_104] : memref<10000x128xf32, #tpu.memory_space<hbm>> -> memref<10000x128xf32, #tpu.memory_space<hbm>>
      tpu.wait_indirect_dma semaphore(%arg14 : memref<!tpu.dma_semaphore, #tpu.memory_space<semaphore_mem>>) src(%dma_wait3A_105 : memref<10000x128xf32, #tpu.memory_space<hbm>>) dst(%arg10 : memref<80x128xf32, #tpu.memory_space<vmem>>)
      %scan3A_106 = arith.constant 0 : i32
      %scan3A_107 = arith.constant 80 : i32
      %scan3A_108 = arith.addi %scan3A_106, %scan3A_107 : i32
      %scan3A_109 = arith.constant 1 : i32
      %scan3A_110:16 = scf.for %scan3A_112 = %scan3A_106 to %scan3A_108 step %scan3A_109 iter_args(%scan3A_113 = %scan3A_77, %scan3A_114 = %scan3A_78, %scan3A_115 = %scan3A_79, %scan3A_116 = %scan3A_80, %scan3A_117 = %scan3A_81, %scan3A_118 = %scan3A_82, %scan3A_119 = %scan3A_83, %scan3A_120 = %scan3A_84, %scan3A_121 = %scan3A_85, %scan3A_122 = %scan3A_86, %scan3A_123 = %scan3A_87, %scan3A_124 = %scan3A_88, %scan3A_125 = %scan3A_89, %scan3A_126 = %scan3A_90, %scan3A_127 = %scan3A_91, %scan3A_128 = %scan3A_92) -> (vector<16xf32>, vector<16xf32>, vector<16xf32>, vector<16xf32>, vector<16xf32>, vector<16xf32>, vector<16xf32>, vector<16xf32>, vector<16xf32>, vector<16xf32>, vector<16xf32>, vector<16xf32>, vector<16xf32>, vector<16xf32>, vector<16xf32>, vector<16xf32>)  : i32 {
        %get3A = arith.index_cast %scan3A_112 : i32 to index
        %get3A_129 = arith.constant 0 : index
        %get3A_130 = tpu.vector_load %arg9[%get3A, %get3A_129] {strides = array<i32>} : memref<80x128xf32, #tpu.memory_space<vmem>>, vector<1x16xf32>,
        %get3A_131 = vector.shape_cast %get3A_130 : vector<1x16xf32> to vector<16xf32>
        %get3A_132 = arith.index_cast %scan3A_112 : i32 to index
        %get3A_133 = arith.constant 0 : index
        %get3A_134 = tpu.vector_load %arg10[%get3A_132, %get3A_133] {strides = array<i32>} : memref<80x128xf32, #tpu.memory_space<vmem>>, vector<1x16xf32>,
        %get3A_135 = vector.shape_cast %get3A_134 : vector<1x16xf32> to vector<16xf32>
        %sub3A = arith.subf %get3A_131, %get3A_135 : vector<16xf32>
        %add3A_136 = arith.addf %scan3A_113, %sub3A : vector<16xf32>
        %mul3A_137 = arith.mulf %sub3A, %sub3A : vector<16xf32>
        %add3A_138 = arith.addf %scan3A_121, %mul3A_137 : vector<16xf32>
        %get3A_139 = arith.index_cast %scan3A_112 : i32 to index
        %get3A_140 = arith.constant 16 : index
        %get3A_141 = tpu.vector_load %arg9[%get3A_139, %get3A_140] {strides = array<i32>} : memref<80x128xf32, #tpu.memory_space<vmem>>, vector<1x16xf32>,
        %get3A_142 = vector.shape_cast %get3A_141 : vector<1x16xf32> to vector<16xf32>
        %get3A_143 = arith.index_cast %scan3A_112 : i32 to index
        %get3A_144 = arith.constant 16 : index
        %get3A_145 = tpu.vector_load %arg10[%get3A_143, %get3A_144] {strides = array<i32>} : memref<80x128xf32, #tpu.memory_space<vmem>>, vector<1x16xf32>,
        %get3A_146 = vector.shape_cast %get3A_145 : vector<1x16xf32> to vector<16xf32>
        %sub3A_147 = arith.subf %get3A_142, %get3A_146 : vector<16xf32>
        %add3A_148 = arith.addf %scan3A_114, %sub3A_147 : vector<16xf32>
        %mul3A_149 = arith.mulf %sub3A_147, %sub3A_147 : vector<16xf32>
        %add3A_150 = arith.addf %scan3A_122, %mul3A_149 : vector<16xf32>
        %get3A_151 = arith.index_cast %scan3A_112 : i32 to index
        %get3A_152 = arith.constant 32 : index
        %get3A_153 = tpu.vector_load %arg9[%get3A_151, %get3A_152] {strides = array<i32>} : memref<80x128xf32, #tpu.memory_space<vmem>>, vector<1x16xf32>,
        %get3A_154 = vector.shape_cast %get3A_153 : vector<1x16xf32> to vector<16xf32>
        %get3A_155 = arith.index_cast %scan3A_112 : i32 to index
        %get3A_156 = arith.constant 32 : index
        %get3A_157 = tpu.vector_load %arg10[%get3A_155, %get3A_156] {strides = array<i32>} : memref<80x128xf32, #tpu.memory_space<vmem>>, vector<1x16xf32>,
        %get3A_158 = vector.shape_cast %get3A_157 : vector<1x16xf32> to vector<16xf32>
        %sub3A_159 = arith.subf %get3A_154, %get3A_158 : vector<16xf32>
        %add3A_160 = arith.addf %scan3A_115, %sub3A_159 : vector<16xf32>
        %mul3A_161 = arith.mulf %sub3A_159, %sub3A_159 : vector<16xf32>
        %add3A_162 = arith.addf %scan3A_123, %mul3A_161 : vector<16xf32>
        %get3A_163 = arith.index_cast %scan3A_112 : i32 to index
        %get3A_164 = arith.constant 48 : index
        %get3A_165 = tpu.vector_load %arg9[%get3A_163, %get3A_164] {strides = array<i32>} : memref<80x128xf32, #tpu.memory_space<vmem>>, vector<1x16xf32>,
        %get3A_166 = vector.shape_cast %get3A_165 : vector<1x16xf32> to vector<16xf32>
        %get3A_167 = arith.index_cast %scan3A_112 : i32 to index
        %get3A_168 = arith.constant 48 : index
        %get3A_169 = tpu.vector_load %arg10[%get3A_167, %get3A_168] {strides = array<i32>} : memref<80x128xf32, #tpu.memory_space<vmem>>, vector<1x16xf32>,
        %get3A_170 = vector.shape_cast %get3A_169 : vector<1x16xf32> to vector<16xf32>
        %sub3A_171 = arith.subf %get3A_166, %get3A_170 : vector<16xf32>
        %add3A_172 = arith.addf %scan3A_116, %sub3A_171 : vector<16xf32>
        %mul3A_173 = arith.mulf %sub3A_171, %sub3A_171 : vector<16xf32>
        %add3A_174 = arith.addf %scan3A_124, %mul3A_173 : vector<16xf32>
        %get3A_175 = arith.index_cast %scan3A_112 : i32 to index
        %get3A_176 = arith.constant 64 : index
        %get3A_177 = tpu.vector_load %arg9[%get3A_175, %get3A_176] {strides = array<i32>} : memref<80x128xf32, #tpu.memory_space<vmem>>, vector<1x16xf32>,
        %get3A_178 = vector.shape_cast %get3A_177 : vector<1x16xf32> to vector<16xf32>
        %get3A_179 = arith.index_cast %scan3A_112 : i32 to index
        %get3A_180 = arith.constant 64 : index
        %get3A_181 = tpu.vector_load %arg10[%get3A_179, %get3A_180] {strides = array<i32>} : memref<80x128xf32, #tpu.memory_space<vmem>>, vector<1x16xf32>,
        %get3A_182 = vector.shape_cast %get3A_181 : vector<1x16xf32> to vector<16xf32>
        %sub3A_183 = arith.subf %get3A_178, %get3A_182 : vector<16xf32>
        %add3A_184 = arith.addf %scan3A_117, %sub3A_183 : vector<16xf32>
        %mul3A_185 = arith.mulf %sub3A_183, %sub3A_183 : vector<16xf32>
        %add3A_186 = arith.addf %scan3A_125, %mul3A_185 : vector<16xf32>
        %get3A_187 = arith.index_cast %scan3A_112 : i32 to index
        %get3A_188 = arith.constant 80 : index
        %get3A_189 = tpu.vector_load %arg9[%get3A_187, %get3A_188] {strides = array<i32>} : memref<80x128xf32, #tpu.memory_space<vmem>>, vector<1x16xf32>,
        %get3A_190 = vector.shape_cast %get3A_189 : vector<1x16xf32> to vector<16xf32>
        %get3A_191 = arith.index_cast %scan3A_112 : i32 to index
        %get3A_192 = arith.constant 80 : index
        %get3A_193 = tpu.vector_load %arg10[%get3A_191, %get3A_192] {strides = array<i32>} : memref<80x128xf32, #tpu.memory_space<vmem>>, vector<1x16xf32>,
        %get3A_194 = vector.shape_cast %get3A_193 : vector<1x16xf32> to vector<16xf32>
        %sub3A_195 = arith.subf %get3A_190, %get3A_194 : vector<16xf32>
        %add3A_196 = arith.addf %scan3A_118, %sub3A_195 : vector<16xf32>
        %mul3A_197 = arith.mulf %sub3A_195, %sub3A_195 : vector<16xf32>
        %add3A_198 = arith.addf %scan3A_126, %mul3A_197 : vector<16xf32>
        %get3A_199 = arith.index_cast %scan3A_112 : i32 to index
        %get3A_200 = arith.constant 96 : index
        %get3A_201 = tpu.vector_load %arg9[%get3A_199, %get3A_200] {strides = array<i32>} : memref<80x128xf32, #tpu.memory_space<vmem>>, vector<1x16xf32>,
        %get3A_202 = vector.shape_cast %get3A_201 : vector<1x16xf32> to vector<16xf32>
        %get3A_203 = arith.index_cast %scan3A_112 : i32 to index
        %get3A_204 = arith.constant 96 : index
        %get3A_205 = tpu.vector_load %arg10[%get3A_203, %get3A_204] {strides = array<i32>} : memref<80x128xf32, #tpu.memory_space<vmem>>, vector<1x16xf32>,
        %get3A_206 = vector.shape_cast %get3A_205 : vector<1x16xf32> to vector<16xf32>
        %sub3A_207 = arith.subf %get3A_202, %get3A_206 : vector<16xf32>
        %add3A_208 = arith.addf %scan3A_119, %sub3A_207 : vector<16xf32>
        %mul3A_209 = arith.mulf %sub3A_207, %sub3A_207 : vector<16xf32>
        %add3A_210 = arith.addf %scan3A_127, %mul3A_209 : vector<16xf32>
        %get3A_211 = arith.index_cast %scan3A_112 : i32 to index
        %get3A_212 = arith.constant 112 : index
        %get3A_213 = tpu.vector_load %arg9[%get3A_211, %get3A_212] {strides = array<i32>} : memref<80x128xf32, #tpu.memory_space<vmem>>, vector<1x16xf32>,
        %get3A_214 = vector.shape_cast %get3A_213 : vector<1x16xf32> to vector<16xf32>
        %get3A_215 = arith.index_cast %scan3A_112 : i32 to index
        %get3A_216 = arith.constant 112 : index
        %get3A_217 = tpu.vector_load %arg10[%get3A_215, %get3A_216] {strides = array<i32>} : memref<80x128xf32, #tpu.memory_space<vmem>>, vector<1x16xf32>,
        %get3A_218 = vector.shape_cast %get3A_217 : vector<1x16xf32> to vector<16xf32>
        %sub3A_219 = arith.subf %get3A_214, %get3A_218 : vector<16xf32>
        %add3A_220 = arith.addf %scan3A_120, %sub3A_219 : vector<16xf32>
        %mul3A_221 = arith.mulf %sub3A_219, %sub3A_219 : vector<16xf32>
        %add3A_222 = arith.addf %scan3A_128, %mul3A_221 : vector<16xf32>
        scf.yield %add3A_136, %add3A_148, %add3A_160, %add3A_172, %add3A_184, %add3A_196, %add3A_208, %add3A_220, %add3A_138, %add3A_150, %add3A_162, %add3A_174, %add3A_186, %add3A_198, %add3A_210, %add3A_222 : vector<16xf32>, vector<16xf32>, vector<16xf32>, vector<16xf32>, vector<16xf32>, vector<16xf32>, vector<16xf32>, vector<16xf32>, vector<16xf32>, vector<16xf32>, vector<16xf32>, vector<16xf32>, vector<16xf32>, vector<16xf32>, vector<16xf32>, vector<16xf32>
      }
      %scan3A_111 = arith.constant 80 : i32
      scf.yield %scan3A_110#0, %scan3A_110#1, %scan3A_110#2, %scan3A_110#3, %scan3A_110#4, %scan3A_110#5, %scan3A_110#6, %scan3A_110#7, %scan3A_110#8, %scan3A_110#9, %scan3A_110#10, %scan3A_110#11, %scan3A_110#12, %scan3A_110#13, %scan3A_110#14, %scan3A_110#15 : vector<16xf32>, vector<16xf32>, vector<16xf32>, vector<16xf32>, vector<16xf32>, vector<16xf32>, vector<16xf32>, vector<16xf32>, vector<16xf32>, vector<16xf32>, vector<16xf32>, vector<16xf32>, vector<16xf32>, vector<16xf32>, vector<16xf32>, vector<16xf32>
    }
    %scan3A_8 = arith.constant 125 : i32
    %swap3A = arith.constant 0 : index
    %swap3A_9 = tpu.vector_load %arg11[%swap3A] {strides = array<i32>} : memref<128xf32, #tpu.memory_space<vmem>>, vector<16xf32>,
    %swap3A_10 = vector.shape_cast %swap3A_9 : vector<16xf32> to vector<16xf32>
    %swap3A_11 = vector.shape_cast %scan3A_7#0 : vector<16xf32> to vector<16xf32>
    tpu.vector_store %arg11[%swap3A], %swap3A_11 {strides = array<i32>} : memref<128xf32, #tpu.memory_space<vmem>>, vector<16xf32>,
    %swap3A_12 = arith.constant 0 : index
    %swap3A_13 = tpu.vector_load %arg12[%swap3A_12] {strides = array<i32>} : memref<128xf32, #tpu.memory_space<vmem>>, vector<16xf32>,
    %swap3A_14 = vector.shape_cast %swap3A_13 : vector<16xf32> to vector<16xf32>
    %swap3A_15 = vector.shape_cast %scan3A_7#8 : vector<16xf32> to vector<16xf32>
    tpu.vector_store %arg12[%swap3A_12], %swap3A_15 {strides = array<i32>} : memref<128xf32, #tpu.memory_space<vmem>>, vector<16xf32>,
    %swap3A_16 = arith.constant 16 : index
    %swap3A_17 = tpu.vector_load %arg11[%swap3A_16] {strides = array<i32>} : memref<128xf32, #tpu.memory_space<vmem>>, vector<16xf32>,
    %swap3A_18 = vector.shape_cast %swap3A_17 : vector<16xf32> to vector<16xf32>
    %swap3A_19 = vector.shape_cast %scan3A_7#1 : vector<16xf32> to vector<16xf32>
    tpu.vector_store %arg11[%swap3A_16], %swap3A_19 {strides = array<i32>} : memref<128xf32, #tpu.memory_space<vmem>>, vector<16xf32>,
    %swap3A_20 = arith.constant 16 : index
    %swap3A_21 = tpu.vector_load %arg12[%swap3A_20] {strides = array<i32>} : memref<128xf32, #tpu.memory_space<vmem>>, vector<16xf32>,
    %swap3A_22 = vector.shape_cast %swap3A_21 : vector<16xf32> to vector<16xf32>
    %swap3A_23 = vector.shape_cast %scan3A_7#9 : vector<16xf32> to vector<16xf32>
    tpu.vector_store %arg12[%swap3A_20], %swap3A_23 {strides = array<i32>} : memref<128xf32, #tpu.memory_space<vmem>>, vector<16xf32>,
    %swap3A_24 = arith.constant 32 : index
    %swap3A_25 = tpu.vector_load %arg11[%swap3A_24] {strides = array<i32>} : memref<128xf32, #tpu.memory_space<vmem>>, vector<16xf32>,
    %swap3A_26 = vector.shape_cast %swap3A_25 : vector<16xf32> to vector<16xf32>
    %swap3A_27 = vector.shape_cast %scan3A_7#2 : vector<16xf32> to vector<16xf32>
    tpu.vector_store %arg11[%swap3A_24], %swap3A_27 {strides = array<i32>} : memref<128xf32, #tpu.memory_space<vmem>>, vector<16xf32>,
    %swap3A_28 = arith.constant 32 : index
    %swap3A_29 = tpu.vector_load %arg12[%swap3A_28] {strides = array<i32>} : memref<128xf32, #tpu.memory_space<vmem>>, vector<16xf32>,
    %swap3A_30 = vector.shape_cast %swap3A_29 : vector<16xf32> to vector<16xf32>
    %swap3A_31 = vector.shape_cast %scan3A_7#10 : vector<16xf32> to vector<16xf32>
    tpu.vector_store %arg12[%swap3A_28], %swap3A_31 {strides = array<i32>} : memref<128xf32, #tpu.memory_space<vmem>>, vector<16xf32>,
    %swap3A_32 = arith.constant 48 : index
    %swap3A_33 = tpu.vector_load %arg11[%swap3A_32] {strides = array<i32>} : memref<128xf32, #tpu.memory_space<vmem>>, vector<16xf32>,
    %swap3A_34 = vector.shape_cast %swap3A_33 : vector<16xf32> to vector<16xf32>
    %swap3A_35 = vector.shape_cast %scan3A_7#3 : vector<16xf32> to vector<16xf32>
    tpu.vector_store %arg11[%swap3A_32], %swap3A_35 {strides = array<i32>} : memref<128xf32, #tpu.memory_space<vmem>>, vector<16xf32>,
    %swap3A_36 = arith.constant 48 : index
    %swap3A_37 = tpu.vector_load %arg12[%swap3A_36] {strides = array<i32>} : memref<128xf32, #tpu.memory_space<vmem>>, vector<16xf32>,
    %swap3A_38 = vector.shape_cast %swap3A_37 : vector<16xf32> to vector<16xf32>
    %swap3A_39 = vector.shape_cast %scan3A_7#11 : vector<16xf32> to vector<16xf32>
    tpu.vector_store %arg12[%swap3A_36], %swap3A_39 {strides = array<i32>} : memref<128xf32, #tpu.memory_space<vmem>>, vector<16xf32>,
    %swap3A_40 = arith.constant 64 : index
    %swap3A_41 = tpu.vector_load %arg11[%swap3A_40] {strides = array<i32>} : memref<128xf32, #tpu.memory_space<vmem>>, vector<16xf32>,
    %swap3A_42 = vector.shape_cast %swap3A_41 : vector<16xf32> to vector<16xf32>
    %swap3A_43 = vector.shape_cast %scan3A_7#4 : vector<16xf32> to vector<16xf32>
    tpu.vector_store %arg11[%swap3A_40], %swap3A_43 {strides = array<i32>} : memref<128xf32, #tpu.memory_space<vmem>>, vector<16xf32>,
    %swap3A_44 = arith.constant 64 : index
    %swap3A_45 = tpu.vector_load %arg12[%swap3A_44] {strides = array<i32>} : memref<128xf32, #tpu.memory_space<vmem>>, vector<16xf32>,
    %swap3A_46 = vector.shape_cast %swap3A_45 : vector<16xf32> to vector<16xf32>
    %swap3A_47 = vector.shape_cast %scan3A_7#12 : vector<16xf32> to vector<16xf32>
    tpu.vector_store %arg12[%swap3A_44], %swap3A_47 {strides = array<i32>} : memref<128xf32, #tpu.memory_space<vmem>>, vector<16xf32>,
    %swap3A_48 = arith.constant 80 : index
    %swap3A_49 = tpu.vector_load %arg11[%swap3A_48] {strides = array<i32>} : memref<128xf32, #tpu.memory_space<vmem>>, vector<16xf32>,
    %swap3A_50 = vector.shape_cast %swap3A_49 : vector<16xf32> to vector<16xf32>
    %swap3A_51 = vector.shape_cast %scan3A_7#5 : vector<16xf32> to vector<16xf32>
    tpu.vector_store %arg11[%swap3A_48], %swap3A_51 {strides = array<i32>} : memref<128xf32, #tpu.memory_space<vmem>>, vector<16xf32>,
    %swap3A_52 = arith.constant 80 : index
    %swap3A_53 = tpu.vector_load %arg12[%swap3A_52] {strides = array<i32>} : memref<128xf32, #tpu.memory_space<vmem>>, vector<16xf32>,
    %swap3A_54 = vector.shape_cast %swap3A_53 : vector<16xf32> to vector<16xf32>
    %swap3A_55 = vector.shape_cast %scan3A_7#13 : vector<16xf32> to vector<16xf32>
    tpu.vector_store %arg12[%swap3A_52], %swap3A_55 {strides = array<i32>} : memref<128xf32, #tpu.memory_space<vmem>>, vector<16xf32>,
    %swap3A_56 = arith.constant 96 : index
    %swap3A_57 = tpu.vector_load %arg11[%swap3A_56] {strides = array<i32>} : memref<128xf32, #tpu.memory_space<vmem>>, vector<16xf32>,
    %swap3A_58 = vector.shape_cast %swap3A_57 : vector<16xf32> to vector<16xf32>
    %swap3A_59 = vector.shape_cast %scan3A_7#6 : vector<16xf32> to vector<16xf32>
    tpu.vector_store %arg11[%swap3A_56], %swap3A_59 {strides = array<i32>} : memref<128xf32, #tpu.memory_space<vmem>>, vector<16xf32>,
    %swap3A_60 = arith.constant 96 : index
    %swap3A_61 = tpu.vector_load %arg12[%swap3A_60] {strides = array<i32>} : memref<128xf32, #tpu.memory_space<vmem>>, vector<16xf32>,
    %swap3A_62 = vector.shape_cast %swap3A_61 : vector<16xf32> to vector<16xf32>
    %swap3A_63 = vector.shape_cast %scan3A_7#14 : vector<16xf32> to vector<16xf32>
    tpu.vector_store %arg12[%swap3A_60], %swap3A_63 {strides = array<i32>} : memref<128xf32, #tpu.memory_space<vmem>>, vector<16xf32>,
    %swap3A_64 = arith.constant 112 : index
    %swap3A_65 = tpu.vector_load %arg11[%swap3A_64] {strides = array<i32>} : memref<128xf32, #tpu.memory_space<vmem>>, vector<16xf32>,
    %swap3A_66 = vector.shape_cast %swap3A_65 : vector<16xf32> to vector<16xf32>
    %swap3A_67 = vector.shape_cast %scan3A_7#7 : vector<16xf32> to vector<16xf32>
    tpu.vector_store %arg11[%swap3A_64], %swap3A_67 {strides = array<i32>} : memref<128xf32, #tpu.memory_space<vmem>>, vector<16xf32>,
    %swap3A_68 = arith.constant 112 : index
    %swap3A_69 = tpu.vector_load %arg12[%swap3A_68] {strides = array<i32>} : memref<128xf32, #tpu.memory_space<vmem>>, vector<16xf32>,
    %swap3A_70 = vector.shape_cast %swap3A_69 : vector<16xf32> to vector<16xf32>
    %swap3A_71 = vector.shape_cast %scan3A_7#15 : vector<16xf32> to vector<16xf32>
    tpu.vector_store %arg12[%swap3A_68], %swap3A_71 {strides = array<i32>} : memref<128xf32, #tpu.memory_space<vmem>>, vector<16xf32>,
    %mul3A_72 = arith.constant 128 : i32
    %mul3A_73 = arith.muli %add3A, %mul3A_72 : i32
    "tpu.region"() ({
      %run_scoped3A = tpu.sem_alloc : memref<!tpu.dma_semaphore, #tpu.memory_space<semaphore_mem>>
      %dma_start3A = tpu.memref_slice %arg5[%mul3A_73] : memref<4096xf32, #tpu.memory_space<hbm>> -> memref<128xf32, #tpu.memory_space<hbm>>
      %dma_start3A_76 = tpu.memref_slice %arg5[%mul3A_73] : memref<4096xf32, #tpu.memory_space<hbm>> -> memref<128xf32, #tpu.memory_space<hbm>>
      tpu.enqueue_dma source(%arg11 : memref<128xf32, #tpu.memory_space<vmem>>) target(%dma_start3A_76 : memref<128xf32, #tpu.memory_space<hbm>>) target_semaphore(%run_scoped3A : memref<!tpu.dma_semaphore, #tpu.memory_space<semaphore_mem>>)
      %dma_wait3A = tpu.memref_slice %arg5[%mul3A_73] : memref<4096xf32, #tpu.memory_space<hbm>> -> memref<128xf32, #tpu.memory_space<hbm>>
      %dma_wait3A_77 = tpu.memref_slice %arg5[%mul3A_73] : memref<4096xf32, #tpu.memory_space<hbm>> -> memref<128xf32, #tpu.memory_space<hbm>>
      tpu.wait_dma2 semaphore(%run_scoped3A : memref<!tpu.dma_semaphore, #tpu.memory_space<semaphore_mem>>) src(%arg11 : memref<128xf32, #tpu.memory_space<vmem>>) dst(%dma_wait3A_77 : memref<128xf32, #tpu.memory_space<hbm>>)
      tpu.yield
    }) : () -> ()
    %mul3A_74 = arith.constant 128 : i32
    %mul3A_75 = arith.muli %add3A, %mul3A_74 : i32
    "tpu.region"() ({
      %run_scoped3A = tpu.sem_alloc : memref<!tpu.dma_semaphore, #tpu.memory_space<semaphore_mem>>
      %dma_start3A = tpu.memref_slice %arg6[%mul3A_75] : memref<4096xf32, #tpu.memory_space<hbm>> -> memref<128xf32, #tpu.memory_space<hbm>>
      %dma_start3A_76 = tpu.memref_slice %arg6[%mul3A_75] : memref<4096xf32, #tpu.memory_space<hbm>> -> memref<128xf32, #tpu.memory_space<hbm>>
      tpu.enqueue_dma source(%arg12 : memref<128xf32, #tpu.memory_space<vmem>>) target(%dma_start3A_76 : memref<128xf32, #tpu.memory_space<hbm>>) target_semaphore(%run_scoped3A : memref<!tpu.dma_semaphore, #tpu.memory_space<semaphore_mem>>)
      %dma_wait3A = tpu.memref_slice %arg6[%mul3A_75] : memref<4096xf32, #tpu.memory_space<hbm>> -> memref<128xf32, #tpu.memory_space<hbm>>
      %dma_wait3A_77 = tpu.memref_slice %arg6[%mul3A_75] : memref<4096xf32, #tpu.memory_space<hbm>> -> memref<128xf32, #tpu.memory_space<hbm>>
      tpu.wait_dma2 semaphore(%run_scoped3A : memref<!tpu.dma_semaphore, #tpu.memory_space<semaphore_mem>>) src(%arg12 : memref<128xf32, #tpu.memory_space<vmem>>) dst(%dma_wait3A_77 : memref<128xf32, #tpu.memory_space<hbm>>)
      tpu.yield
    }) : () -> ()
    return
  }
}

#map = affine_map<(d0, d1) -> (0, 0)>
#map1 = affine_map<(d0, d1) -> (0)>
module attributes {stable_mosaic.version = 14 : i64} {
  func.func @edge_pass(%arg0: i32, %arg1: i32, %arg2: memref<20000x64xf32, #tpu.memory_space<hbm>>, %arg3: memref<320000xi32, #tpu.memory_space<hbm>>, %arg4: memref<320000xi32, #tpu.memory_space<hbm>>, %arg5: memref<128xf32, #tpu.memory_space<hbm>>, %arg6: memref<128xf32, #tpu.memory_space<hbm>>, %arg7: memref<20000x64xf32, #tpu.memory_space<hbm>>, %arg8: memref<80xi32, #tpu.memory_space<vmem>>, %arg9: memref<80xi32, #tpu.memory_space<vmem>>, %arg10: memref<80xi32, #tpu.memory_space<vmem>>, %arg11: memref<80xi32, #tpu.memory_space<vmem>>, %arg12: memref<80x64xf32, #tpu.memory_space<vmem>>, %arg13: memref<80x64xf32, #tpu.memory_space<vmem>>, %arg14: memref<80x64xf32, #tpu.memory_space<vmem>>, %arg15: memref<80x64xf32, #tpu.memory_space<vmem>>, %arg16: memref<128xf32, #tpu.memory_space<vmem>>, %arg17: memref<128xf32, #tpu.memory_space<vmem>>, %arg18: memref<200x64xf32, #tpu.memory_space<vmem>>, %arg19: memref<10000x64xf32, #tpu.memory_space<vmem_shared>>, %arg20: memref<!tpu.dma_semaphore, #tpu.memory_space<semaphore_mem>>, %arg21: memref<!tpu.dma_semaphore, #tpu.memory_space<semaphore_mem>>) attributes {dimension_semantics = [#tpu.dimension_semantics<core_parallel>, #tpu.dimension_semantics<subcore_parallel>], iteration_bounds = array<i64: 2, 16>, scalar_prefetch = 0 : i64, scratch_operands = 14 : i64, tpu.core_type = #tpu.core_type<sc_vector_subcore>, window_params = [{transform_indices = #map}, {transform_indices = #map1}, {transform_indices = #map1}, {transform_indices = #map1}, {transform_indices = #map1}, {transform_indices = #map}]} {
    %mul3A = arith.constant 20000 : i32
    %mul3A_0 = arith.muli %arg1, %mul3A : i32
    %broadcast_in_dim3A = arith.constant 0.000000e+00 : f32
    %broadcast_in_dim3A_1 = vector.broadcast %broadcast_in_dim3A : f32 to vector<16xf32>
    %scan3A = arith.constant 0 : i32
    %scan3A_2 = arith.constant 0 : i32
    %scan3A_3 = arith.constant 200 : i32
    %scan3A_4 = arith.addi %scan3A_2, %scan3A_3 : i32
    %scan3A_5 = arith.constant 1 : i32
    scf.for %scan3A_123 = %scan3A_2 to %scan3A_4 step %scan3A_5  : i32 {
      %swap3A = arith.index_cast %scan3A_123 : i32 to index
      %swap3A_124 = arith.constant 0 : index
      %swap3A_125 = tpu.vector_load %arg18[%swap3A, %swap3A_124] {strides = array<i32>} : memref<200x64xf32, #tpu.memory_space<vmem>>, vector<1x16xf32>,
      %swap3A_126 = vector.shape_cast %swap3A_125 : vector<1x16xf32> to vector<16xf32>
      %swap3A_127 = vector.shape_cast %broadcast_in_dim3A_1 : vector<16xf32> to vector<1x16xf32>
      tpu.vector_store %arg18[%swap3A, %swap3A_124], %swap3A_127 {strides = array<i32>} : memref<200x64xf32, #tpu.memory_space<vmem>>, vector<1x16xf32>,
      %swap3A_128 = arith.index_cast %scan3A_123 : i32 to index
      %swap3A_129 = arith.constant 16 : index
      %swap3A_130 = tpu.vector_load %arg18[%swap3A_128, %swap3A_129] {strides = array<i32>} : memref<200x64xf32, #tpu.memory_space<vmem>>, vector<1x16xf32>,
      %swap3A_131 = vector.shape_cast %swap3A_130 : vector<1x16xf32> to vector<16xf32>
      %swap3A_132 = vector.shape_cast %broadcast_in_dim3A_1 : vector<16xf32> to vector<1x16xf32>
      tpu.vector_store %arg18[%swap3A_128, %swap3A_129], %swap3A_132 {strides = array<i32>} : memref<200x64xf32, #tpu.memory_space<vmem>>, vector<1x16xf32>,
      %swap3A_133 = arith.index_cast %scan3A_123 : i32 to index
      %swap3A_134 = arith.constant 32 : index
      %swap3A_135 = tpu.vector_load %arg18[%swap3A_133, %swap3A_134] {strides = array<i32>} : memref<200x64xf32, #tpu.memory_space<vmem>>, vector<1x16xf32>,
      %swap3A_136 = vector.shape_cast %swap3A_135 : vector<1x16xf32> to vector<16xf32>
      %swap3A_137 = vector.shape_cast %broadcast_in_dim3A_1 : vector<16xf32> to vector<1x16xf32>
      tpu.vector_store %arg18[%swap3A_133, %swap3A_134], %swap3A_137 {strides = array<i32>} : memref<200x64xf32, #tpu.memory_space<vmem>>, vector<1x16xf32>,
      %swap3A_138 = arith.index_cast %scan3A_123 : i32 to index
      %swap3A_139 = arith.constant 48 : index
      %swap3A_140 = tpu.vector_load %arg18[%swap3A_138, %swap3A_139] {strides = array<i32>} : memref<200x64xf32, #tpu.memory_space<vmem>>, vector<1x16xf32>,
      %swap3A_141 = vector.shape_cast %swap3A_140 : vector<1x16xf32> to vector<16xf32>
      %swap3A_142 = vector.shape_cast %broadcast_in_dim3A_1 : vector<16xf32> to vector<1x16xf32>
      tpu.vector_store %arg18[%swap3A_138, %swap3A_139], %swap3A_142 {strides = array<i32>} : memref<200x64xf32, #tpu.memory_space<vmem>>, vector<1x16xf32>,
    }
    %scan3A_6 = arith.constant 200 : i32
    %add3A = arith.constant 0 : i32
    %add3A_7 = arith.addi %add3A, %arg1 : i32
    %lt3A = arith.constant 50 : i32
    %lt3A_8 = arith.cmpi slt, %add3A_7, %lt3A : i32
    %convert_element_type3A = arith.extui %lt3A_8 : i1 to i32
    %cond3A = arith.constant 0 : i32
    %cond3A_9 = arith.cmpi ne, %convert_element_type3A, %cond3A : i32
    scf.if %cond3A_9 {
      %mul3A_123 = arith.constant 200 : i32
      %mul3A_124 = arith.muli %add3A_7, %mul3A_123 : i32
      "tpu.region"() ({
        %run_scoped3A = tpu.sem_alloc : memref<!tpu.dma_semaphore, #tpu.memory_space<semaphore_mem>>
        %dma_start3A = arith.constant 0 : i32
        %dma_start3A_125 = tpu.memref_slice %arg19[%mul3A_124, %dma_start3A] : memref<10000x64xf32, #tpu.memory_space<vmem_shared>> -> memref<200x64xf32, #tpu.memory_space<vmem_shared>>
        %dma_start3A_126 = arith.constant 0 : i32
        %dma_start3A_127 = tpu.memref_slice %arg19[%mul3A_124, %dma_start3A_126] : memref<10000x64xf32, #tpu.memory_space<vmem_shared>> -> memref<200x64xf32, #tpu.memory_space<vmem_shared>>
        tpu.enqueue_dma source(%arg18 : memref<200x64xf32, #tpu.memory_space<vmem>>) target(%dma_start3A_127 : memref<200x64xf32, #tpu.memory_space<vmem_shared>>) target_semaphore(%run_scoped3A : memref<!tpu.dma_semaphore, #tpu.memory_space<semaphore_mem>>)
        %dma_wait3A = arith.constant 0 : i32
        %dma_wait3A_128 = tpu.memref_slice %arg19[%mul3A_124, %dma_wait3A] : memref<10000x64xf32, #tpu.memory_space<vmem_shared>> -> memref<200x64xf32, #tpu.memory_space<vmem_shared>>
        %dma_wait3A_129 = arith.constant 0 : i32
        %dma_wait3A_130 = tpu.memref_slice %arg19[%mul3A_124, %dma_wait3A_129] : memref<10000x64xf32, #tpu.memory_space<vmem_shared>> -> memref<200x64xf32, #tpu.memory_space<vmem_shared>>
        tpu.wait_dma2 semaphore(%run_scoped3A : memref<!tpu.dma_semaphore, #tpu.memory_space<semaphore_mem>>) src(%arg18 : memref<200x64xf32, #tpu.memory_space<vmem>>) dst(%dma_wait3A_130 : memref<200x64xf32, #tpu.memory_space<vmem_shared>>)
        tpu.yield
      }) : () -> ()
    } else {
    }
    %add3A_10 = arith.constant 16 : i32
    %add3A_11 = arith.addi %add3A_10, %arg1 : i32
    %lt3A_12 = arith.constant 50 : i32
    %lt3A_13 = arith.cmpi slt, %add3A_11, %lt3A_12 : i32
    %convert_element_type3A_14 = arith.extui %lt3A_13 : i1 to i32
    %cond3A_15 = arith.constant 0 : i32
    %cond3A_16 = arith.cmpi ne, %convert_element_type3A_14, %cond3A_15 : i32
    scf.if %cond3A_16 {
      %mul3A_123 = arith.constant 200 : i32
      %mul3A_124 = arith.muli %add3A_11, %mul3A_123 : i32
      "tpu.region"() ({
        %run_scoped3A = tpu.sem_alloc : memref<!tpu.dma_semaphore, #tpu.memory_space<semaphore_mem>>
        %dma_start3A = arith.constant 0 : i32
        %dma_start3A_125 = tpu.memref_slice %arg19[%mul3A_124, %dma_start3A] : memref<10000x64xf32, #tpu.memory_space<vmem_shared>> -> memref<200x64xf32, #tpu.memory_space<vmem_shared>>
        %dma_start3A_126 = arith.constant 0 : i32
        %dma_start3A_127 = tpu.memref_slice %arg19[%mul3A_124, %dma_start3A_126] : memref<10000x64xf32, #tpu.memory_space<vmem_shared>> -> memref<200x64xf32, #tpu.memory_space<vmem_shared>>
        tpu.enqueue_dma source(%arg18 : memref<200x64xf32, #tpu.memory_space<vmem>>) target(%dma_start3A_127 : memref<200x64xf32, #tpu.memory_space<vmem_shared>>) target_semaphore(%run_scoped3A : memref<!tpu.dma_semaphore, #tpu.memory_space<semaphore_mem>>)
        %dma_wait3A = arith.constant 0 : i32
        %dma_wait3A_128 = tpu.memref_slice %arg19[%mul3A_124, %dma_wait3A] : memref<10000x64xf32, #tpu.memory_space<vmem_shared>> -> memref<200x64xf32, #tpu.memory_space<vmem_shared>>
        %dma_wait3A_129 = arith.constant 0 : i32
        %dma_wait3A_130 = tpu.memref_slice %arg19[%mul3A_124, %dma_wait3A_129] : memref<10000x64xf32, #tpu.memory_space<vmem_shared>> -> memref<200x64xf32, #tpu.memory_space<vmem_shared>>
        tpu.wait_dma2 semaphore(%run_scoped3A : memref<!tpu.dma_semaphore, #tpu.memory_space<semaphore_mem>>) src(%arg18 : memref<200x64xf32, #tpu.memory_space<vmem>>) dst(%dma_wait3A_130 : memref<200x64xf32, #tpu.memory_space<vmem_shared>>)
        tpu.yield
      }) : () -> ()
    } else {
    }
    %add3A_17 = arith.constant 32 : i32
    %add3A_18 = arith.addi %add3A_17, %arg1 : i32
    %lt3A_19 = arith.constant 50 : i32
    %lt3A_20 = arith.cmpi slt, %add3A_18, %lt3A_19 : i32
    %convert_element_type3A_21 = arith.extui %lt3A_20 : i1 to i32
    %cond3A_22 = arith.constant 0 : i32
    %cond3A_23 = arith.cmpi ne, %convert_element_type3A_21, %cond3A_22 : i32
    scf.if %cond3A_23 {
      %mul3A_123 = arith.constant 200 : i32
      %mul3A_124 = arith.muli %add3A_18, %mul3A_123 : i32
      "tpu.region"() ({
        %run_scoped3A = tpu.sem_alloc : memref<!tpu.dma_semaphore, #tpu.memory_space<semaphore_mem>>
        %dma_start3A = arith.constant 0 : i32
        %dma_start3A_125 = tpu.memref_slice %arg19[%mul3A_124, %dma_start3A] : memref<10000x64xf32, #tpu.memory_space<vmem_shared>> -> memref<200x64xf32, #tpu.memory_space<vmem_shared>>
        %dma_start3A_126 = arith.constant 0 : i32
        %dma_start3A_127 = tpu.memref_slice %arg19[%mul3A_124, %dma_start3A_126] : memref<10000x64xf32, #tpu.memory_space<vmem_shared>> -> memref<200x64xf32, #tpu.memory_space<vmem_shared>>
        tpu.enqueue_dma source(%arg18 : memref<200x64xf32, #tpu.memory_space<vmem>>) target(%dma_start3A_127 : memref<200x64xf32, #tpu.memory_space<vmem_shared>>) target_semaphore(%run_scoped3A : memref<!tpu.dma_semaphore, #tpu.memory_space<semaphore_mem>>)
        %dma_wait3A = arith.constant 0 : i32
        %dma_wait3A_128 = tpu.memref_slice %arg19[%mul3A_124, %dma_wait3A] : memref<10000x64xf32, #tpu.memory_space<vmem_shared>> -> memref<200x64xf32, #tpu.memory_space<vmem_shared>>
        %dma_wait3A_129 = arith.constant 0 : i32
        %dma_wait3A_130 = tpu.memref_slice %arg19[%mul3A_124, %dma_wait3A_129] : memref<10000x64xf32, #tpu.memory_space<vmem_shared>> -> memref<200x64xf32, #tpu.memory_space<vmem_shared>>
        tpu.wait_dma2 semaphore(%run_scoped3A : memref<!tpu.dma_semaphore, #tpu.memory_space<semaphore_mem>>) src(%arg18 : memref<200x64xf32, #tpu.memory_space<vmem>>) dst(%dma_wait3A_130 : memref<200x64xf32, #tpu.memory_space<vmem_shared>>)
        tpu.yield
      }) : () -> ()
    } else {
    }
    %add3A_24 = arith.constant 48 : i32
    %add3A_25 = arith.addi %add3A_24, %arg1 : i32
    %lt3A_26 = arith.constant 50 : i32
    %lt3A_27 = arith.cmpi slt, %add3A_25, %lt3A_26 : i32
    %convert_element_type3A_28 = arith.extui %lt3A_27 : i1 to i32
    %cond3A_29 = arith.constant 0 : i32
    %cond3A_30 = arith.cmpi ne, %convert_element_type3A_28, %cond3A_29 : i32
    scf.if %cond3A_30 {
      %mul3A_123 = arith.constant 200 : i32
      %mul3A_124 = arith.muli %add3A_25, %mul3A_123 : i32
      "tpu.region"() ({
        %run_scoped3A = tpu.sem_alloc : memref<!tpu.dma_semaphore, #tpu.memory_space<semaphore_mem>>
        %dma_start3A = arith.constant 0 : i32
        %dma_start3A_125 = tpu.memref_slice %arg19[%mul3A_124, %dma_start3A] : memref<10000x64xf32, #tpu.memory_space<vmem_shared>> -> memref<200x64xf32, #tpu.memory_space<vmem_shared>>
        %dma_start3A_126 = arith.constant 0 : i32
        %dma_start3A_127 = tpu.memref_slice %arg19[%mul3A_124, %dma_start3A_126] : memref<10000x64xf32, #tpu.memory_space<vmem_shared>> -> memref<200x64xf32, #tpu.memory_space<vmem_shared>>
        tpu.enqueue_dma source(%arg18 : memref<200x64xf32, #tpu.memory_space<vmem>>) target(%dma_start3A_127 : memref<200x64xf32, #tpu.memory_space<vmem_shared>>) target_semaphore(%run_scoped3A : memref<!tpu.dma_semaphore, #tpu.memory_space<semaphore_mem>>)
        %dma_wait3A = arith.constant 0 : i32
        %dma_wait3A_128 = tpu.memref_slice %arg19[%mul3A_124, %dma_wait3A] : memref<10000x64xf32, #tpu.memory_space<vmem_shared>> -> memref<200x64xf32, #tpu.memory_space<vmem_shared>>
        %dma_wait3A_129 = arith.constant 0 : i32
        %dma_wait3A_130 = tpu.memref_slice %arg19[%mul3A_124, %dma_wait3A_129] : memref<10000x64xf32, #tpu.memory_space<vmem_shared>> -> memref<200x64xf32, #tpu.memory_space<vmem_shared>>
        tpu.wait_dma2 semaphore(%run_scoped3A : memref<!tpu.dma_semaphore, #tpu.memory_space<semaphore_mem>>) src(%arg18 : memref<200x64xf32, #tpu.memory_space<vmem>>) dst(%dma_wait3A_130 : memref<200x64xf32, #tpu.memory_space<vmem_shared>>)
        tpu.yield
      }) : () -> ()
    } else {
    }
    %barrier3A = arith.constant 0 : index
    tpu.barrier barrier_id(%barrier3A)
    "tpu.region"() ({
      %run_scoped3A = tpu.sem_alloc : memref<!tpu.dma_semaphore, #tpu.memory_space<semaphore_mem>>
      tpu.enqueue_dma source(%arg5 : memref<128xf32, #tpu.memory_space<hbm>>) target(%arg16 : memref<128xf32, #tpu.memory_space<vmem>>) target_semaphore(%run_scoped3A : memref<!tpu.dma_semaphore, #tpu.memory_space<semaphore_mem>>)
      tpu.wait_dma2 semaphore(%run_scoped3A : memref<!tpu.dma_semaphore, #tpu.memory_space<semaphore_mem>>) src(%arg5 : memref<128xf32, #tpu.memory_space<hbm>>) dst(%arg16 : memref<128xf32, #tpu.memory_space<vmem>>)
      tpu.yield
    }) : () -> ()
    "tpu.region"() ({
      %run_scoped3A = tpu.sem_alloc : memref<!tpu.dma_semaphore, #tpu.memory_space<semaphore_mem>>
      tpu.enqueue_dma source(%arg6 : memref<128xf32, #tpu.memory_space<hbm>>) target(%arg17 : memref<128xf32, #tpu.memory_space<vmem>>) target_semaphore(%run_scoped3A : memref<!tpu.dma_semaphore, #tpu.memory_space<semaphore_mem>>)
      tpu.wait_dma2 semaphore(%run_scoped3A : memref<!tpu.dma_semaphore, #tpu.memory_space<semaphore_mem>>) src(%arg6 : memref<128xf32, #tpu.memory_space<hbm>>) dst(%arg17 : memref<128xf32, #tpu.memory_space<vmem>>)
      tpu.yield
    }) : () -> ()
    %eq3A = arith.constant 0 : i32
    %eq3A_31 = arith.cmpi eq, %arg0, %eq3A : i32
    %get3A = arith.constant 0 : index
    %get3A_32 = tpu.vector_load %arg16[%get3A] {strides = array<i32>} : memref<128xf32, #tpu.memory_space<vmem>>, vector<16xf32>,
    %get3A_33 = vector.shape_cast %get3A_32 : vector<16xf32> to vector<16xf32>
    %get3A_34 = arith.constant 64 : index
    %get3A_35 = tpu.vector_load %arg16[%get3A_34] {strides = array<i32>} : memref<128xf32, #tpu.memory_space<vmem>>, vector<16xf32>,
    %get3A_36 = vector.shape_cast %get3A_35 : vector<16xf32> to vector<16xf32>
    %select_n3A = arith.select %eq3A_31, %get3A_33, %get3A_36 : vector<16xf32>
    %get3A_37 = arith.constant 0 : index
    %get3A_38 = tpu.vector_load %arg17[%get3A_37] {strides = array<i32>} : memref<128xf32, #tpu.memory_space<vmem>>, vector<16xf32>,
    %get3A_39 = vector.shape_cast %get3A_38 : vector<16xf32> to vector<16xf32>
    %get3A_40 = arith.constant 64 : index
    %get3A_41 = tpu.vector_load %arg17[%get3A_40] {strides = array<i32>} : memref<128xf32, #tpu.memory_space<vmem>>, vector<16xf32>,
    %get3A_42 = vector.shape_cast %get3A_41 : vector<16xf32> to vector<16xf32>
    %select_n3A_43 = arith.select %eq3A_31, %get3A_39, %get3A_42 : vector<16xf32>
    %get3A_44 = arith.constant 16 : index
    %get3A_45 = tpu.vector_load %arg16[%get3A_44] {strides = array<i32>} : memref<128xf32, #tpu.memory_space<vmem>>, vector<16xf32>,
    %get3A_46 = vector.shape_cast %get3A_45 : vector<16xf32> to vector<16xf32>
    %get3A_47 = arith.constant 80 : index
    %get3A_48 = tpu.vector_load %arg16[%get3A_47] {strides = array<i32>} : memref<128xf32, #tpu.memory_space<vmem>>, vector<16xf32>,
    %get3A_49 = vector.shape_cast %get3A_48 : vector<16xf32> to vector<16xf32>
    %select_n3A_50 = arith.select %eq3A_31, %get3A_46, %get3A_49 : vector<16xf32>
    %get3A_51 = arith.constant 16 : index
    %get3A_52 = tpu.vector_load %arg17[%get3A_51] {strides = array<i32>} : memref<128xf32, #tpu.memory_space<vmem>>, vector<16xf32>,
    %get3A_53 = vector.shape_cast %get3A_52 : vector<16xf32> to vector<16xf32>
    %get3A_54 = arith.constant 80 : index
    %get3A_55 = tpu.vector_load %arg17[%get3A_54] {strides = array<i32>} : memref<128xf32, #tpu.memory_space<vmem>>, vector<16xf32>,
    %get3A_56 = vector.shape_cast %get3A_55 : vector<16xf32> to vector<16xf32>
    %select_n3A_57 = arith.select %eq3A_31, %get3A_53, %get3A_56 : vector<16xf32>
    %get3A_58 = arith.constant 32 : index
    %get3A_59 = tpu.vector_load %arg16[%get3A_58] {strides = array<i32>} : memref<128xf32, #tpu.memory_space<vmem>>, vector<16xf32>,
    %get3A_60 = vector.shape_cast %get3A_59 : vector<16xf32> to vector<16xf32>
    %get3A_61 = arith.constant 96 : index
    %get3A_62 = tpu.vector_load %arg16[%get3A_61] {strides = array<i32>} : memref<128xf32, #tpu.memory_space<vmem>>, vector<16xf32>,
    %get3A_63 = vector.shape_cast %get3A_62 : vector<16xf32> to vector<16xf32>
    %select_n3A_64 = arith.select %eq3A_31, %get3A_60, %get3A_63 : vector<16xf32>
    %get3A_65 = arith.constant 32 : index
    %get3A_66 = tpu.vector_load %arg17[%get3A_65] {strides = array<i32>} : memref<128xf32, #tpu.memory_space<vmem>>, vector<16xf32>,
    %get3A_67 = vector.shape_cast %get3A_66 : vector<16xf32> to vector<16xf32>
    %get3A_68 = arith.constant 96 : index
    %get3A_69 = tpu.vector_load %arg17[%get3A_68] {strides = array<i32>} : memref<128xf32, #tpu.memory_space<vmem>>, vector<16xf32>,
    %get3A_70 = vector.shape_cast %get3A_69 : vector<16xf32> to vector<16xf32>
    %select_n3A_71 = arith.select %eq3A_31, %get3A_67, %get3A_70 : vector<16xf32>
    %get3A_72 = arith.constant 48 : index
    %get3A_73 = tpu.vector_load %arg16[%get3A_72] {strides = array<i32>} : memref<128xf32, #tpu.memory_space<vmem>>, vector<16xf32>,
    %get3A_74 = vector.shape_cast %get3A_73 : vector<16xf32> to vector<16xf32>
    %get3A_75 = arith.constant 112 : index
    %get3A_76 = tpu.vector_load %arg16[%get3A_75] {strides = array<i32>} : memref<128xf32, #tpu.memory_space<vmem>>, vector<16xf32>,
    %get3A_77 = vector.shape_cast %get3A_76 : vector<16xf32> to vector<16xf32>
    %select_n3A_78 = arith.select %eq3A_31, %get3A_74, %get3A_77 : vector<16xf32>
    %get3A_79 = arith.constant 48 : index
    %get3A_80 = tpu.vector_load %arg17[%get3A_79] {strides = array<i32>} : memref<128xf32, #tpu.memory_space<vmem>>, vector<16xf32>,
    %get3A_81 = vector.shape_cast %get3A_80 : vector<16xf32> to vector<16xf32>
    %get3A_82 = arith.constant 112 : index
    %get3A_83 = tpu.vector_load %arg17[%get3A_82] {strides = array<i32>} : memref<128xf32, #tpu.memory_space<vmem>>, vector<16xf32>,
    %get3A_84 = vector.shape_cast %get3A_83 : vector<16xf32> to vector<16xf32>
    %select_n3A_85 = arith.select %eq3A_31, %get3A_81, %get3A_84 : vector<16xf32>
    %mul3A_86 = arith.constant 10000 : i32
    %mul3A_87 = arith.muli %arg0, %mul3A_86 : i32
    %scan3A_88 = arith.constant 0 : i32
    %scan3A_89 = arith.constant 0 : i32
    %scan3A_90 = arith.constant 250 : i32
    %scan3A_91 = arith.addi %scan3A_89, %scan3A_90 : i32
    %scan3A_92 = arith.constant 1 : i32
    scf.for %scan3A_123 = %scan3A_89 to %scan3A_91 step %scan3A_92  : i32 {
      %mul3A_124 = arith.constant 80 : i32
      %mul3A_125 = arith.muli %scan3A_123, %mul3A_124 : i32
      %add3A_126 = arith.addi %mul3A_0, %mul3A_125 : i32
      "tpu.region"() ({
        %run_scoped3A = tpu.sem_alloc : memref<!tpu.dma_semaphore, #tpu.memory_space<semaphore_mem>>
        %dma_start3A_232 = tpu.memref_slice %arg3[%add3A_126] : memref<320000xi32, #tpu.memory_space<hbm>> -> memref<80xi32, #tpu.memory_space<hbm>>
        %dma_start3A_233 = tpu.memref_slice %arg3[%add3A_126] : memref<320000xi32, #tpu.memory_space<hbm>> -> memref<80xi32, #tpu.memory_space<hbm>>
        tpu.enqueue_dma source(%dma_start3A_233 : memref<80xi32, #tpu.memory_space<hbm>>) target(%arg8 : memref<80xi32, #tpu.memory_space<vmem>>) target_semaphore(%run_scoped3A : memref<!tpu.dma_semaphore, #tpu.memory_space<semaphore_mem>>)
        %dma_wait3A_234 = tpu.memref_slice %arg3[%add3A_126] : memref<320000xi32, #tpu.memory_space<hbm>> -> memref<80xi32, #tpu.memory_space<hbm>>
        %dma_wait3A_235 = tpu.memref_slice %arg3[%add3A_126] : memref<320000xi32, #tpu.memory_space<hbm>> -> memref<80xi32, #tpu.memory_space<hbm>>
        tpu.wait_dma2 semaphore(%run_scoped3A : memref<!tpu.dma_semaphore, #tpu.memory_space<semaphore_mem>>) src(%dma_wait3A_235 : memref<80xi32, #tpu.memory_space<hbm>>) dst(%arg8 : memref<80xi32, #tpu.memory_space<vmem>>)
        tpu.yield
      }) : () -> ()
      "tpu.region"() ({
        %run_scoped3A = tpu.sem_alloc : memref<!tpu.dma_semaphore, #tpu.memory_space<semaphore_mem>>
        %dma_start3A_232 = tpu.memref_slice %arg4[%add3A_126] : memref<320000xi32, #tpu.memory_space<hbm>> -> memref<80xi32, #tpu.memory_space<hbm>>
        %dma_start3A_233 = tpu.memref_slice %arg4[%add3A_126] : memref<320000xi32, #tpu.memory_space<hbm>> -> memref<80xi32, #tpu.memory_space<hbm>>
        tpu.enqueue_dma source(%dma_start3A_233 : memref<80xi32, #tpu.memory_space<hbm>>) target(%arg9 : memref<80xi32, #tpu.memory_space<vmem>>) target_semaphore(%run_scoped3A : memref<!tpu.dma_semaphore, #tpu.memory_space<semaphore_mem>>)
        %dma_wait3A_234 = tpu.memref_slice %arg4[%add3A_126] : memref<320000xi32, #tpu.memory_space<hbm>> -> memref<80xi32, #tpu.memory_space<hbm>>
        %dma_wait3A_235 = tpu.memref_slice %arg4[%add3A_126] : memref<320000xi32, #tpu.memory_space<hbm>> -> memref<80xi32, #tpu.memory_space<hbm>>
        tpu.wait_dma2 semaphore(%run_scoped3A : memref<!tpu.dma_semaphore, #tpu.memory_space<semaphore_mem>>) src(%dma_wait3A_235 : memref<80xi32, #tpu.memory_space<hbm>>) dst(%arg9 : memref<80xi32, #tpu.memory_space<vmem>>)
        tpu.yield
      }) : () -> ()
      %get3A_127 = arith.constant 0 : index
      %get3A_128 = tpu.vector_load %arg8[%get3A_127] {strides = array<i32>} : memref<80xi32, #tpu.memory_space<vmem>>, vector<16xi32>,
      %get3A_129 = vector.shape_cast %get3A_128 : vector<16xi32> to vector<16xi32>
      %add3A_130 = vector.broadcast %mul3A_87 : i32 to vector<16xi32>
      %add3A_131 = arith.addi %get3A_129, %add3A_130 : vector<16xi32>
      %swap3A = arith.constant 0 : index
      %swap3A_132 = tpu.vector_load %arg10[%swap3A] {strides = array<i32>} : memref<80xi32, #tpu.memory_space<vmem>>, vector<16xi32>,
      %swap3A_133 = vector.shape_cast %swap3A_132 : vector<16xi32> to vector<16xi32>
      %swap3A_134 = vector.shape_cast %add3A_131 : vector<16xi32> to vector<16xi32>
      tpu.vector_store %arg10[%swap3A], %swap3A_134 {strides = array<i32>} : memref<80xi32, #tpu.memory_space<vmem>>, vector<16xi32>,
      %get3A_135 = arith.constant 0 : index
      %get3A_136 = tpu.vector_load %arg9[%get3A_135] {strides = array<i32>} : memref<80xi32, #tpu.memory_space<vmem>>, vector<16xi32>,
      %get3A_137 = vector.shape_cast %get3A_136 : vector<16xi32> to vector<16xi32>
      %add3A_138 = vector.broadcast %mul3A_87 : i32 to vector<16xi32>
      %add3A_139 = arith.addi %get3A_137, %add3A_138 : vector<16xi32>
      %swap3A_140 = arith.constant 0 : index
      %swap3A_141 = tpu.vector_load %arg11[%swap3A_140] {strides = array<i32>} : memref<80xi32, #tpu.memory_space<vmem>>, vector<16xi32>,
      %swap3A_142 = vector.shape_cast %swap3A_141 : vector<16xi32> to vector<16xi32>
      %swap3A_143 = vector.shape_cast %add3A_139 : vector<16xi32> to vector<16xi32>
      tpu.vector_store %arg11[%swap3A_140], %swap3A_143 {strides = array<i32>} : memref<80xi32, #tpu.memory_space<vmem>>, vector<16xi32>,
      %get3A_144 = arith.constant 16 : index
      %get3A_145 = tpu.vector_load %arg8[%get3A_144] {strides = array<i32>} : memref<80xi32, #tpu.memory_space<vmem>>, vector<16xi32>,
      %get3A_146 = vector.shape_cast %get3A_145 : vector<16xi32> to vector<16xi32>
      %add3A_147 = vector.broadcast %mul3A_87 : i32 to vector<16xi32>
      %add3A_148 = arith.addi %get3A_146, %add3A_147 : vector<16xi32>
      %swap3A_149 = arith.constant 16 : index
      %swap3A_150 = tpu.vector_load %arg10[%swap3A_149] {strides = array<i32>} : memref<80xi32, #tpu.memory_space<vmem>>, vector<16xi32>,
      %swap3A_151 = vector.shape_cast %swap3A_150 : vector<16xi32> to vector<16xi32>
      %swap3A_152 = vector.shape_cast %add3A_148 : vector<16xi32> to vector<16xi32>
      tpu.vector_store %arg10[%swap3A_149], %swap3A_152 {strides = array<i32>} : memref<80xi32, #tpu.memory_space<vmem>>, vector<16xi32>,
      %get3A_153 = arith.constant 16 : index
      %get3A_154 = tpu.vector_load %arg9[%get3A_153] {strides = array<i32>} : memref<80xi32, #tpu.memory_space<vmem>>, vector<16xi32>,
      %get3A_155 = vector.shape_cast %get3A_154 : vector<16xi32> to vector<16xi32>
      %add3A_156 = vector.broadcast %mul3A_87 : i32 to vector<16xi32>
      %add3A_157 = arith.addi %get3A_155, %add3A_156 : vector<16xi32>
      %swap3A_158 = arith.constant 16 : index
      %swap3A_159 = tpu.vector_load %arg11[%swap3A_158] {strides = array<i32>} : memref<80xi32, #tpu.memory_space<vmem>>, vector<16xi32>,
      %swap3A_160 = vector.shape_cast %swap3A_159 : vector<16xi32> to vector<16xi32>
      %swap3A_161 = vector.shape_cast %add3A_157 : vector<16xi32> to vector<16xi32>
      tpu.vector_store %arg11[%swap3A_158], %swap3A_161 {strides = array<i32>} : memref<80xi32, #tpu.memory_space<vmem>>, vector<16xi32>,
      %get3A_162 = arith.constant 32 : index
      %get3A_163 = tpu.vector_load %arg8[%get3A_162] {strides = array<i32>} : memref<80xi32, #tpu.memory_space<vmem>>, vector<16xi32>,
      %get3A_164 = vector.shape_cast %get3A_163 : vector<16xi32> to vector<16xi32>
      %add3A_165 = vector.broadcast %mul3A_87 : i32 to vector<16xi32>
      %add3A_166 = arith.addi %get3A_164, %add3A_165 : vector<16xi32>
      %swap3A_167 = arith.constant 32 : index
      %swap3A_168 = tpu.vector_load %arg10[%swap3A_167] {strides = array<i32>} : memref<80xi32, #tpu.memory_space<vmem>>, vector<16xi32>,
      %swap3A_169 = vector.shape_cast %swap3A_168 : vector<16xi32> to vector<16xi32>
      %swap3A_170 = vector.shape_cast %add3A_166 : vector<16xi32> to vector<16xi32>
      tpu.vector_store %arg10[%swap3A_167], %swap3A_170 {strides = array<i32>} : memref<80xi32, #tpu.memory_space<vmem>>, vector<16xi32>,
      %get3A_171 = arith.constant 32 : index
      %get3A_172 = tpu.vector_load %arg9[%get3A_171] {strides = array<i32>} : memref<80xi32, #tpu.memory_space<vmem>>, vector<16xi32>,
      %get3A_173 = vector.shape_cast %get3A_172 : vector<16xi32> to vector<16xi32>
      %add3A_174 = vector.broadcast %mul3A_87 : i32 to vector<16xi32>
      %add3A_175 = arith.addi %get3A_173, %add3A_174 : vector<16xi32>
      %swap3A_176 = arith.constant 32 : index
      %swap3A_177 = tpu.vector_load %arg11[%swap3A_176] {strides = array<i32>} : memref<80xi32, #tpu.memory_space<vmem>>, vector<16xi32>,
      %swap3A_178 = vector.shape_cast %swap3A_177 : vector<16xi32> to vector<16xi32>
      %swap3A_179 = vector.shape_cast %add3A_175 : vector<16xi32> to vector<16xi32>
      tpu.vector_store %arg11[%swap3A_176], %swap3A_179 {strides = array<i32>} : memref<80xi32, #tpu.memory_space<vmem>>, vector<16xi32>,
      %get3A_180 = arith.constant 48 : index
      %get3A_181 = tpu.vector_load %arg8[%get3A_180] {strides = array<i32>} : memref<80xi32, #tpu.memory_space<vmem>>, vector<16xi32>,
      %get3A_182 = vector.shape_cast %get3A_181 : vector<16xi32> to vector<16xi32>
      %add3A_183 = vector.broadcast %mul3A_87 : i32 to vector<16xi32>
      %add3A_184 = arith.addi %get3A_182, %add3A_183 : vector<16xi32>
      %swap3A_185 = arith.constant 48 : index
      %swap3A_186 = tpu.vector_load %arg10[%swap3A_185] {strides = array<i32>} : memref<80xi32, #tpu.memory_space<vmem>>, vector<16xi32>,
      %swap3A_187 = vector.shape_cast %swap3A_186 : vector<16xi32> to vector<16xi32>
      %swap3A_188 = vector.shape_cast %add3A_184 : vector<16xi32> to vector<16xi32>
      tpu.vector_store %arg10[%swap3A_185], %swap3A_188 {strides = array<i32>} : memref<80xi32, #tpu.memory_space<vmem>>, vector<16xi32>,
      %get3A_189 = arith.constant 48 : index
      %get3A_190 = tpu.vector_load %arg9[%get3A_189] {strides = array<i32>} : memref<80xi32, #tpu.memory_space<vmem>>, vector<16xi32>,
      %get3A_191 = vector.shape_cast %get3A_190 : vector<16xi32> to vector<16xi32>
      %add3A_192 = vector.broadcast %mul3A_87 : i32 to vector<16xi32>
      %add3A_193 = arith.addi %get3A_191, %add3A_192 : vector<16xi32>
      %swap3A_194 = arith.constant 48 : index
      %swap3A_195 = tpu.vector_load %arg11[%swap3A_194] {strides = array<i32>} : memref<80xi32, #tpu.memory_space<vmem>>, vector<16xi32>,
      %swap3A_196 = vector.shape_cast %swap3A_195 : vector<16xi32> to vector<16xi32>
      %swap3A_197 = vector.shape_cast %add3A_193 : vector<16xi32> to vector<16xi32>
      tpu.vector_store %arg11[%swap3A_194], %swap3A_197 {strides = array<i32>} : memref<80xi32, #tpu.memory_space<vmem>>, vector<16xi32>,
      %get3A_198 = arith.constant 64 : index
      %get3A_199 = tpu.vector_load %arg8[%get3A_198] {strides = array<i32>} : memref<80xi32, #tpu.memory_space<vmem>>, vector<16xi32>,
      %get3A_200 = vector.shape_cast %get3A_199 : vector<16xi32> to vector<16xi32>
      %add3A_201 = vector.broadcast %mul3A_87 : i32 to vector<16xi32>
      %add3A_202 = arith.addi %get3A_200, %add3A_201 : vector<16xi32>
      %swap3A_203 = arith.constant 64 : index
      %swap3A_204 = tpu.vector_load %arg10[%swap3A_203] {strides = array<i32>} : memref<80xi32, #tpu.memory_space<vmem>>, vector<16xi32>,
      %swap3A_205 = vector.shape_cast %swap3A_204 : vector<16xi32> to vector<16xi32>
      %swap3A_206 = vector.shape_cast %add3A_202 : vector<16xi32> to vector<16xi32>
      tpu.vector_store %arg10[%swap3A_203], %swap3A_206 {strides = array<i32>} : memref<80xi32, #tpu.memory_space<vmem>>, vector<16xi32>,
      %get3A_207 = arith.constant 64 : index
      %get3A_208 = tpu.vector_load %arg9[%get3A_207] {strides = array<i32>} : memref<80xi32, #tpu.memory_space<vmem>>, vector<16xi32>,
      %get3A_209 = vector.shape_cast %get3A_208 : vector<16xi32> to vector<16xi32>
      %add3A_210 = vector.broadcast %mul3A_87 : i32 to vector<16xi32>
      %add3A_211 = arith.addi %get3A_209, %add3A_210 : vector<16xi32>
      %swap3A_212 = arith.constant 64 : index
      %swap3A_213 = tpu.vector_load %arg11[%swap3A_212] {strides = array<i32>} : memref<80xi32, #tpu.memory_space<vmem>>, vector<16xi32>,
      %swap3A_214 = vector.shape_cast %swap3A_213 : vector<16xi32> to vector<16xi32>
      %swap3A_215 = vector.shape_cast %add3A_211 : vector<16xi32> to vector<16xi32>
      tpu.vector_store %arg11[%swap3A_212], %swap3A_215 {strides = array<i32>} : memref<80xi32, #tpu.memory_space<vmem>>, vector<16xi32>,
      %dma_start3A = arith.constant 0 : i32
      %dma_start3A_216 = arith.constant 0 : i32
      %dma_start3A_217 = tpu.memref_slice %arg2[%dma_start3A, %dma_start3A_216] : memref<20000x64xf32, #tpu.memory_space<hbm>> -> memref<20000x64xf32, #tpu.memory_space<hbm>>
      tpu.enqueue_indirect_dma source(%dma_start3A_217 : memref<20000x64xf32, #tpu.memory_space<hbm>>) target(%arg12 : memref<80x64xf32, #tpu.memory_space<vmem>>) offsets(%arg10 : memref<80xi32, #tpu.memory_space<vmem>>) semaphore(%arg20 : memref<!tpu.dma_semaphore, #tpu.memory_space<semaphore_mem>>)
      %dma_start3A_218 = arith.constant 0 : i32
      %dma_start3A_219 = arith.constant 0 : i32
      %dma_start3A_220 = tpu.memref_slice %arg2[%dma_start3A_218, %dma_start3A_219] : memref<20000x64xf32, #tpu.memory_space<hbm>> -> memref<20000x64xf32, #tpu.memory_space<hbm>>
      tpu.enqueue_indirect_dma source(%dma_start3A_220 : memref<20000x64xf32, #tpu.memory_space<hbm>>) target(%arg13 : memref<80x64xf32, #tpu.memory_space<vmem>>) offsets(%arg11 : memref<80xi32, #tpu.memory_space<vmem>>) semaphore(%arg21 : memref<!tpu.dma_semaphore, #tpu.memory_space<semaphore_mem>>)
      %dma_wait3A = arith.constant 0 : i32
      %dma_wait3A_221 = arith.constant 0 : i32
      %dma_wait3A_222 = tpu.memref_slice %arg2[%dma_wait3A, %dma_wait3A_221] : memref<20000x64xf32, #tpu.memory_space<hbm>> -> memref<20000x64xf32, #tpu.memory_space<hbm>>
      tpu.wait_indirect_dma semaphore(%arg20 : memref<!tpu.dma_semaphore, #tpu.memory_space<semaphore_mem>>) src(%dma_wait3A_222 : memref<20000x64xf32, #tpu.memory_space<hbm>>) dst(%arg12 : memref<80x64xf32, #tpu.memory_space<vmem>>)
      %dma_wait3A_223 = arith.constant 0 : i32
      %dma_wait3A_224 = arith.constant 0 : i32
      %dma_wait3A_225 = tpu.memref_slice %arg2[%dma_wait3A_223, %dma_wait3A_224] : memref<20000x64xf32, #tpu.memory_space<hbm>> -> memref<20000x64xf32, #tpu.memory_space<hbm>>
      tpu.wait_indirect_dma semaphore(%arg21 : memref<!tpu.dma_semaphore, #tpu.memory_space<semaphore_mem>>) src(%dma_wait3A_225 : memref<20000x64xf32, #tpu.memory_space<hbm>>) dst(%arg13 : memref<80x64xf32, #tpu.memory_space<vmem>>)
      %scan3A_226 = arith.constant 0 : i32
      %scan3A_227 = arith.constant 0 : i32
      %scan3A_228 = arith.constant 80 : i32
      %scan3A_229 = arith.addi %scan3A_227, %scan3A_228 : i32
      %scan3A_230 = arith.constant 1 : i32
      scf.for %scan3A_232 = %scan3A_227 to %scan3A_229 step %scan3A_230  : i32 {
        %get3A_233 = arith.index_cast %scan3A_232 : i32 to index
        %get3A_234 = arith.constant 0 : index
        %get3A_235 = tpu.vector_load %arg12[%get3A_233, %get3A_234] {strides = array<i32>} : memref<80x64xf32, #tpu.memory_space<vmem>>, vector<1x16xf32>,
        %get3A_236 = vector.shape_cast %get3A_235 : vector<1x16xf32> to vector<16xf32>
        %get3A_237 = arith.index_cast %scan3A_232 : i32 to index
        %get3A_238 = arith.constant 0 : index
        %get3A_239 = tpu.vector_load %arg13[%get3A_237, %get3A_238] {strides = array<i32>} : memref<80x64xf32, #tpu.memory_space<vmem>>, vector<1x16xf32>,
        %get3A_240 = vector.shape_cast %get3A_239 : vector<1x16xf32> to vector<16xf32>
        %sub3A = arith.subf %get3A_236, %get3A_240 : vector<16xf32>
        %mul3A_241 = arith.mulf %select_n3A, %sub3A : vector<16xf32>
        %add3A_242 = arith.addf %mul3A_241, %select_n3A_43 : vector<16xf32>
        %max3A = arith.constant 0.000000e+00 : f32
        %max3A_243 = vector.broadcast %max3A : f32 to vector<16xf32>
        %max3A_244 = arith.maximumf %add3A_242, %max3A_243 : vector<16xf32>
        %swap3A_245 = arith.index_cast %scan3A_232 : i32 to index
        %swap3A_246 = arith.constant 0 : index
        %swap3A_247 = tpu.vector_load %arg14[%swap3A_245, %swap3A_246] {strides = array<i32>} : memref<80x64xf32, #tpu.memory_space<vmem>>, vector<1x16xf32>,
        %swap3A_248 = vector.shape_cast %swap3A_247 : vector<1x16xf32> to vector<16xf32>
        %swap3A_249 = vector.shape_cast %max3A_244 : vector<16xf32> to vector<1x16xf32>
        tpu.vector_store %arg14[%swap3A_245, %swap3A_246], %swap3A_249 {strides = array<i32>} : memref<80x64xf32, #tpu.memory_space<vmem>>, vector<1x16xf32>,
        %sub3A_250 = arith.subf %broadcast_in_dim3A_1, %max3A_244 : vector<16xf32>
        %swap3A_251 = arith.index_cast %scan3A_232 : i32 to index
        %swap3A_252 = arith.constant 0 : index
        %swap3A_253 = tpu.vector_load %arg15[%swap3A_251, %swap3A_252] {strides = array<i32>} : memref<80x64xf32, #tpu.memory_space<vmem>>, vector<1x16xf32>,
        %swap3A_254 = vector.shape_cast %swap3A_253 : vector<1x16xf32> to vector<16xf32>
        %swap3A_255 = vector.shape_cast %sub3A_250 : vector<16xf32> to vector<1x16xf32>
        tpu.vector_store %arg15[%swap3A_251, %swap3A_252], %swap3A_255 {strides = array<i32>} : memref<80x64xf32, #tpu.memory_space<vmem>>, vector<1x16xf32>,
        %get3A_256 = arith.index_cast %scan3A_232 : i32 to index
        %get3A_257 = arith.constant 16 : index
        %get3A_258 = tpu.vector_load %arg12[%get3A_256, %get3A_257] {strides = array<i32>} : memref<80x64xf32, #tpu.memory_space<vmem>>, vector<1x16xf32>,
        %get3A_259 = vector.shape_cast %get3A_258 : vector<1x16xf32> to vector<16xf32>
        %get3A_260 = arith.index_cast %scan3A_232 : i32 to index
        %get3A_261 = arith.constant 16 : index
        %get3A_262 = tpu.vector_load %arg13[%get3A_260, %get3A_261] {strides = array<i32>} : memref<80x64xf32, #tpu.memory_space<vmem>>, vector<1x16xf32>,
        %get3A_263 = vector.shape_cast %get3A_262 : vector<1x16xf32> to vector<16xf32>
        %sub3A_264 = arith.subf %get3A_259, %get3A_263 : vector<16xf32>
        %mul3A_265 = arith.mulf %select_n3A_50, %sub3A_264 : vector<16xf32>
        %add3A_266 = arith.addf %mul3A_265, %select_n3A_57 : vector<16xf32>
        %max3A_267 = arith.constant 0.000000e+00 : f32
        %max3A_268 = vector.broadcast %max3A_267 : f32 to vector<16xf32>
        %max3A_269 = arith.maximumf %add3A_266, %max3A_268 : vector<16xf32>
        %swap3A_270 = arith.index_cast %scan3A_232 : i32 to index
        %swap3A_271 = arith.constant 16 : index
        %swap3A_272 = tpu.vector_load %arg14[%swap3A_270, %swap3A_271] {strides = array<i32>} : memref<80x64xf32, #tpu.memory_space<vmem>>, vector<1x16xf32>,
        %swap3A_273 = vector.shape_cast %swap3A_272 : vector<1x16xf32> to vector<16xf32>
        %swap3A_274 = vector.shape_cast %max3A_269 : vector<16xf32> to vector<1x16xf32>
        tpu.vector_store %arg14[%swap3A_270, %swap3A_271], %swap3A_274 {strides = array<i32>} : memref<80x64xf32, #tpu.memory_space<vmem>>, vector<1x16xf32>,
        %sub3A_275 = arith.subf %broadcast_in_dim3A_1, %max3A_269 : vector<16xf32>
        %swap3A_276 = arith.index_cast %scan3A_232 : i32 to index
        %swap3A_277 = arith.constant 16 : index
        %swap3A_278 = tpu.vector_load %arg15[%swap3A_276, %swap3A_277] {strides = array<i32>} : memref<80x64xf32, #tpu.memory_space<vmem>>, vector<1x16xf32>,
        %swap3A_279 = vector.shape_cast %swap3A_278 : vector<1x16xf32> to vector<16xf32>
        %swap3A_280 = vector.shape_cast %sub3A_275 : vector<16xf32> to vector<1x16xf32>
        tpu.vector_store %arg15[%swap3A_276, %swap3A_277], %swap3A_280 {strides = array<i32>} : memref<80x64xf32, #tpu.memory_space<vmem>>, vector<1x16xf32>,
        %get3A_281 = arith.index_cast %scan3A_232 : i32 to index
        %get3A_282 = arith.constant 32 : index
        %get3A_283 = tpu.vector_load %arg12[%get3A_281, %get3A_282] {strides = array<i32>} : memref<80x64xf32, #tpu.memory_space<vmem>>, vector<1x16xf32>,
        %get3A_284 = vector.shape_cast %get3A_283 : vector<1x16xf32> to vector<16xf32>
        %get3A_285 = arith.index_cast %scan3A_232 : i32 to index
        %get3A_286 = arith.constant 32 : index
        %get3A_287 = tpu.vector_load %arg13[%get3A_285, %get3A_286] {strides = array<i32>} : memref<80x64xf32, #tpu.memory_space<vmem>>, vector<1x16xf32>,
        %get3A_288 = vector.shape_cast %get3A_287 : vector<1x16xf32> to vector<16xf32>
        %sub3A_289 = arith.subf %get3A_284, %get3A_288 : vector<16xf32>
        %mul3A_290 = arith.mulf %select_n3A_64, %sub3A_289 : vector<16xf32>
        %add3A_291 = arith.addf %mul3A_290, %select_n3A_71 : vector<16xf32>
        %max3A_292 = arith.constant 0.000000e+00 : f32
        %max3A_293 = vector.broadcast %max3A_292 : f32 to vector<16xf32>
        %max3A_294 = arith.maximumf %add3A_291, %max3A_293 : vector<16xf32>
        %swap3A_295 = arith.index_cast %scan3A_232 : i32 to index
        %swap3A_296 = arith.constant 32 : index
        %swap3A_297 = tpu.vector_load %arg14[%swap3A_295, %swap3A_296] {strides = array<i32>} : memref<80x64xf32, #tpu.memory_space<vmem>>, vector<1x16xf32>,
        %swap3A_298 = vector.shape_cast %swap3A_297 : vector<1x16xf32> to vector<16xf32>
        %swap3A_299 = vector.shape_cast %max3A_294 : vector<16xf32> to vector<1x16xf32>
        tpu.vector_store %arg14[%swap3A_295, %swap3A_296], %swap3A_299 {strides = array<i32>} : memref<80x64xf32, #tpu.memory_space<vmem>>, vector<1x16xf32>,
        %sub3A_300 = arith.subf %broadcast_in_dim3A_1, %max3A_294 : vector<16xf32>
        %swap3A_301 = arith.index_cast %scan3A_232 : i32 to index
        %swap3A_302 = arith.constant 32 : index
        %swap3A_303 = tpu.vector_load %arg15[%swap3A_301, %swap3A_302] {strides = array<i32>} : memref<80x64xf32, #tpu.memory_space<vmem>>, vector<1x16xf32>,
        %swap3A_304 = vector.shape_cast %swap3A_303 : vector<1x16xf32> to vector<16xf32>
        %swap3A_305 = vector.shape_cast %sub3A_300 : vector<16xf32> to vector<1x16xf32>
        tpu.vector_store %arg15[%swap3A_301, %swap3A_302], %swap3A_305 {strides = array<i32>} : memref<80x64xf32, #tpu.memory_space<vmem>>, vector<1x16xf32>,
        %get3A_306 = arith.index_cast %scan3A_232 : i32 to index
        %get3A_307 = arith.constant 48 : index
        %get3A_308 = tpu.vector_load %arg12[%get3A_306, %get3A_307] {strides = array<i32>} : memref<80x64xf32, #tpu.memory_space<vmem>>, vector<1x16xf32>,
        %get3A_309 = vector.shape_cast %get3A_308 : vector<1x16xf32> to vector<16xf32>
        %get3A_310 = arith.index_cast %scan3A_232 : i32 to index
        %get3A_311 = arith.constant 48 : index
        %get3A_312 = tpu.vector_load %arg13[%get3A_310, %get3A_311] {strides = array<i32>} : memref<80x64xf32, #tpu.memory_space<vmem>>, vector<1x16xf32>,
        %get3A_313 = vector.shape_cast %get3A_312 : vector<1x16xf32> to vector<16xf32>
        %sub3A_314 = arith.subf %get3A_309, %get3A_313 : vector<16xf32>
        %mul3A_315 = arith.mulf %select_n3A_78, %sub3A_314 : vector<16xf32>
        %add3A_316 = arith.addf %mul3A_315, %select_n3A_85 : vector<16xf32>
        %max3A_317 = arith.constant 0.000000e+00 : f32
        %max3A_318 = vector.broadcast %max3A_317 : f32 to vector<16xf32>
        %max3A_319 = arith.maximumf %add3A_316, %max3A_318 : vector<16xf32>
        %swap3A_320 = arith.index_cast %scan3A_232 : i32 to index
        %swap3A_321 = arith.constant 48 : index
        %swap3A_322 = tpu.vector_load %arg14[%swap3A_320, %swap3A_321] {strides = array<i32>} : memref<80x64xf32, #tpu.memory_space<vmem>>, vector<1x16xf32>,
        %swap3A_323 = vector.shape_cast %swap3A_322 : vector<1x16xf32> to vector<16xf32>
        %swap3A_324 = vector.shape_cast %max3A_319 : vector<16xf32> to vector<1x16xf32>
        tpu.vector_store %arg14[%swap3A_320, %swap3A_321], %swap3A_324 {strides = array<i32>} : memref<80x64xf32, #tpu.memory_space<vmem>>, vector<1x16xf32>,
        %sub3A_325 = arith.subf %broadcast_in_dim3A_1, %max3A_319 : vector<16xf32>
        %swap3A_326 = arith.index_cast %scan3A_232 : i32 to index
        %swap3A_327 = arith.constant 48 : index
        %swap3A_328 = tpu.vector_load %arg15[%swap3A_326, %swap3A_327] {strides = array<i32>} : memref<80x64xf32, #tpu.memory_space<vmem>>, vector<1x16xf32>,
        %swap3A_329 = vector.shape_cast %swap3A_328 : vector<1x16xf32> to vector<16xf32>
        %swap3A_330 = vector.shape_cast %sub3A_325 : vector<16xf32> to vector<1x16xf32>
        tpu.vector_store %arg15[%swap3A_326, %swap3A_327], %swap3A_330 {strides = array<i32>} : memref<80x64xf32, #tpu.memory_space<vmem>>, vector<1x16xf32>,
      }
      %scan3A_231 = arith.constant 80 : i32
      "tpu.region"() ({
        %run_scoped3A = tpu.sem_alloc : memref<!tpu.dma_semaphore, #tpu.memory_space<semaphore_mem>>
        %dma_start3A_232 = arith.constant 0 : i32
        %dma_start3A_233 = arith.constant 0 : i32
        %dma_start3A_234 = tpu.memref_slice %arg19[%dma_start3A_232, %dma_start3A_233] : memref<10000x64xf32, #tpu.memory_space<vmem_shared>> -> memref<10000x64xf32, #tpu.memory_space<vmem_shared>>
        tpu.enqueue_indirect_dma source(%arg14 : memref<80x64xf32, #tpu.memory_space<vmem>>) target(%dma_start3A_234 : memref<10000x64xf32, #tpu.memory_space<vmem_shared>>) offsets(%arg8 : memref<80xi32, #tpu.memory_space<vmem>>) semaphore(%run_scoped3A : memref<!tpu.dma_semaphore, #tpu.memory_space<semaphore_mem>>) {add = true}
        %dma_wait3A_235 = arith.constant 0 : i32
        %dma_wait3A_236 = arith.constant 0 : i32
        %dma_wait3A_237 = tpu.memref_slice %arg19[%dma_wait3A_235, %dma_wait3A_236] : memref<10000x64xf32, #tpu.memory_space<vmem_shared>> -> memref<10000x64xf32, #tpu.memory_space<vmem_shared>>
        tpu.wait_indirect_dma semaphore(%run_scoped3A : memref<!tpu.dma_semaphore, #tpu.memory_space<semaphore_mem>>) src(%arg14 : memref<80x64xf32, #tpu.memory_space<vmem>>) dst(%dma_wait3A_237 : memref<10000x64xf32, #tpu.memory_space<vmem_shared>>)
        tpu.yield
      }) : () -> ()
      "tpu.region"() ({
        %run_scoped3A = tpu.sem_alloc : memref<!tpu.dma_semaphore, #tpu.memory_space<semaphore_mem>>
        %dma_start3A_232 = arith.constant 0 : i32
        %dma_start3A_233 = arith.constant 0 : i32
        %dma_start3A_234 = tpu.memref_slice %arg19[%dma_start3A_232, %dma_start3A_233] : memref<10000x64xf32, #tpu.memory_space<vmem_shared>> -> memref<10000x64xf32, #tpu.memory_space<vmem_shared>>
        tpu.enqueue_indirect_dma source(%arg15 : memref<80x64xf32, #tpu.memory_space<vmem>>) target(%dma_start3A_234 : memref<10000x64xf32, #tpu.memory_space<vmem_shared>>) offsets(%arg9 : memref<80xi32, #tpu.memory_space<vmem>>) semaphore(%run_scoped3A : memref<!tpu.dma_semaphore, #tpu.memory_space<semaphore_mem>>) {add = true}
        %dma_wait3A_235 = arith.constant 0 : i32
        %dma_wait3A_236 = arith.constant 0 : i32
        %dma_wait3A_237 = tpu.memref_slice %arg19[%dma_wait3A_235, %dma_wait3A_236] : memref<10000x64xf32, #tpu.memory_space<vmem_shared>> -> memref<10000x64xf32, #tpu.memory_space<vmem_shared>>
        tpu.wait_indirect_dma semaphore(%run_scoped3A : memref<!tpu.dma_semaphore, #tpu.memory_space<semaphore_mem>>) src(%arg15 : memref<80x64xf32, #tpu.memory_space<vmem>>) dst(%dma_wait3A_237 : memref<10000x64xf32, #tpu.memory_space<vmem_shared>>)
        tpu.yield
      }) : () -> ()
    }
    %scan3A_93 = arith.constant 250 : i32
    %barrier3A_94 = arith.constant 0 : index
    tpu.barrier barrier_id(%barrier3A_94)
    %add3A_95 = arith.constant 0 : i32
    %add3A_96 = arith.addi %add3A_95, %arg1 : i32
    %lt3A_97 = arith.constant 50 : i32
    %lt3A_98 = arith.cmpi slt, %add3A_96, %lt3A_97 : i32
    %convert_element_type3A_99 = arith.extui %lt3A_98 : i1 to i32
    %cond3A_100 = arith.constant 0 : i32
    %cond3A_101 = arith.cmpi ne, %convert_element_type3A_99, %cond3A_100 : i32
    scf.if %cond3A_101 {
      %mul3A_123 = arith.constant 200 : i32
      %mul3A_124 = arith.muli %add3A_96, %mul3A_123 : i32
      "tpu.region"() ({
        %run_scoped3A = tpu.sem_alloc : memref<!tpu.dma_semaphore, #tpu.memory_space<semaphore_mem>>
        %dma_start3A = arith.constant 0 : i32
        %dma_start3A_128 = tpu.memref_slice %arg19[%mul3A_124, %dma_start3A] : memref<10000x64xf32, #tpu.memory_space<vmem_shared>> -> memref<200x64xf32, #tpu.memory_space<vmem_shared>>
        %dma_start3A_129 = arith.constant 0 : i32
        %dma_start3A_130 = tpu.memref_slice %arg19[%mul3A_124, %dma_start3A_129] : memref<10000x64xf32, #tpu.memory_space<vmem_shared>> -> memref<200x64xf32, #tpu.memory_space<vmem_shared>>
        tpu.enqueue_dma source(%dma_start3A_130 : memref<200x64xf32, #tpu.memory_space<vmem_shared>>) target(%arg18 : memref<200x64xf32, #tpu.memory_space<vmem>>) target_semaphore(%run_scoped3A : memref<!tpu.dma_semaphore, #tpu.memory_space<semaphore_mem>>)
        %dma_wait3A = arith.constant 0 : i32
        %dma_wait3A_131 = tpu.memref_slice %arg19[%mul3A_124, %dma_wait3A] : memref<10000x64xf32, #tpu.memory_space<vmem_shared>> -> memref<200x64xf32, #tpu.memory_space<vmem_shared>>
        %dma_wait3A_132 = arith.constant 0 : i32
        %dma_wait3A_133 = tpu.memref_slice %arg19[%mul3A_124, %dma_wait3A_132] : memref<10000x64xf32, #tpu.memory_space<vmem_shared>> -> memref<200x64xf32, #tpu.memory_space<vmem_shared>>
        tpu.wait_dma2 semaphore(%run_scoped3A : memref<!tpu.dma_semaphore, #tpu.memory_space<semaphore_mem>>) src(%dma_wait3A_133 : memref<200x64xf32, #tpu.memory_space<vmem_shared>>) dst(%arg18 : memref<200x64xf32, #tpu.memory_space<vmem>>)
        tpu.yield
      }) : () -> ()
      %mul3A_125 = arith.constant 10000 : i32
      %mul3A_126 = arith.muli %arg0, %mul3A_125 : i32
      %add3A_127 = arith.addi %mul3A_126, %mul3A_124 : i32
      "tpu.region"() ({
        %run_scoped3A = tpu.sem_alloc : memref<!tpu.dma_semaphore, #tpu.memory_space<semaphore_mem>>
        %dma_start3A = arith.constant 0 : i32
        %dma_start3A_128 = tpu.memref_slice %arg7[%add3A_127, %dma_start3A] : memref<20000x64xf32, #tpu.memory_space<hbm>> -> memref<200x64xf32, #tpu.memory_space<hbm>>
        %dma_start3A_129 = arith.constant 0 : i32
        %dma_start3A_130 = tpu.memref_slice %arg7[%add3A_127, %dma_start3A_129] : memref<20000x64xf32, #tpu.memory_space<hbm>> -> memref<200x64xf32, #tpu.memory_space<hbm>>
        tpu.enqueue_dma source(%arg18 : memref<200x64xf32, #tpu.memory_space<vmem>>) target(%dma_start3A_130 : memref<200x64xf32, #tpu.memory_space<hbm>>) target_semaphore(%run_scoped3A : memref<!tpu.dma_semaphore, #tpu.memory_space<semaphore_mem>>)
        %dma_wait3A = arith.constant 0 : i32
        %dma_wait3A_131 = tpu.memref_slice %arg7[%add3A_127, %dma_wait3A] : memref<20000x64xf32, #tpu.memory_space<hbm>> -> memref<200x64xf32, #tpu.memory_space<hbm>>
        %dma_wait3A_132 = arith.constant 0 : i32
        %dma_wait3A_133 = tpu.memref_slice %arg7[%add3A_127, %dma_wait3A_132] : memref<20000x64xf32, #tpu.memory_space<hbm>> -> memref<200x64xf32, #tpu.memory_space<hbm>>
        tpu.wait_dma2 semaphore(%run_scoped3A : memref<!tpu.dma_semaphore, #tpu.memory_space<semaphore_mem>>) src(%arg18 : memref<200x64xf32, #tpu.memory_space<vmem>>) dst(%dma_wait3A_133 : memref<200x64xf32, #tpu.memory_space<hbm>>)
        tpu.yield
      }) : () -> ()
    } else {
    }
    %add3A_102 = arith.constant 16 : i32
    %add3A_103 = arith.addi %add3A_102, %arg1 : i32
    %lt3A_104 = arith.constant 50 : i32
    %lt3A_105 = arith.cmpi slt, %add3A_103, %lt3A_104 : i32
    %convert_element_type3A_106 = arith.extui %lt3A_105 : i1 to i32
    %cond3A_107 = arith.constant 0 : i32
    %cond3A_108 = arith.cmpi ne, %convert_element_type3A_106, %cond3A_107 : i32
    scf.if %cond3A_108 {
      %mul3A_123 = arith.constant 200 : i32
      %mul3A_124 = arith.muli %add3A_103, %mul3A_123 : i32
      "tpu.region"() ({
        %run_scoped3A = tpu.sem_alloc : memref<!tpu.dma_semaphore, #tpu.memory_space<semaphore_mem>>
        %dma_start3A = arith.constant 0 : i32
        %dma_start3A_128 = tpu.memref_slice %arg19[%mul3A_124, %dma_start3A] : memref<10000x64xf32, #tpu.memory_space<vmem_shared>> -> memref<200x64xf32, #tpu.memory_space<vmem_shared>>
        %dma_start3A_129 = arith.constant 0 : i32
        %dma_start3A_130 = tpu.memref_slice %arg19[%mul3A_124, %dma_start3A_129] : memref<10000x64xf32, #tpu.memory_space<vmem_shared>> -> memref<200x64xf32, #tpu.memory_space<vmem_shared>>
        tpu.enqueue_dma source(%dma_start3A_130 : memref<200x64xf32, #tpu.memory_space<vmem_shared>>) target(%arg18 : memref<200x64xf32, #tpu.memory_space<vmem>>) target_semaphore(%run_scoped3A : memref<!tpu.dma_semaphore, #tpu.memory_space<semaphore_mem>>)
        %dma_wait3A = arith.constant 0 : i32
        %dma_wait3A_131 = tpu.memref_slice %arg19[%mul3A_124, %dma_wait3A] : memref<10000x64xf32, #tpu.memory_space<vmem_shared>> -> memref<200x64xf32, #tpu.memory_space<vmem_shared>>
        %dma_wait3A_132 = arith.constant 0 : i32
        %dma_wait3A_133 = tpu.memref_slice %arg19[%mul3A_124, %dma_wait3A_132] : memref<10000x64xf32, #tpu.memory_space<vmem_shared>> -> memref<200x64xf32, #tpu.memory_space<vmem_shared>>
        tpu.wait_dma2 semaphore(%run_scoped3A : memref<!tpu.dma_semaphore, #tpu.memory_space<semaphore_mem>>) src(%dma_wait3A_133 : memref<200x64xf32, #tpu.memory_space<vmem_shared>>) dst(%arg18 : memref<200x64xf32, #tpu.memory_space<vmem>>)
        tpu.yield
      }) : () -> ()
      %mul3A_125 = arith.constant 10000 : i32
      %mul3A_126 = arith.muli %arg0, %mul3A_125 : i32
      %add3A_127 = arith.addi %mul3A_126, %mul3A_124 : i32
      "tpu.region"() ({
        %run_scoped3A = tpu.sem_alloc : memref<!tpu.dma_semaphore, #tpu.memory_space<semaphore_mem>>
        %dma_start3A = arith.constant 0 : i32
        %dma_start3A_128 = tpu.memref_slice %arg7[%add3A_127, %dma_start3A] : memref<20000x64xf32, #tpu.memory_space<hbm>> -> memref<200x64xf32, #tpu.memory_space<hbm>>
        %dma_start3A_129 = arith.constant 0 : i32
        %dma_start3A_130 = tpu.memref_slice %arg7[%add3A_127, %dma_start3A_129] : memref<20000x64xf32, #tpu.memory_space<hbm>> -> memref<200x64xf32, #tpu.memory_space<hbm>>
        tpu.enqueue_dma source(%arg18 : memref<200x64xf32, #tpu.memory_space<vmem>>) target(%dma_start3A_130 : memref<200x64xf32, #tpu.memory_space<hbm>>) target_semaphore(%run_scoped3A : memref<!tpu.dma_semaphore, #tpu.memory_space<semaphore_mem>>)
        %dma_wait3A = arith.constant 0 : i32
        %dma_wait3A_131 = tpu.memref_slice %arg7[%add3A_127, %dma_wait3A] : memref<20000x64xf32, #tpu.memory_space<hbm>> -> memref<200x64xf32, #tpu.memory_space<hbm>>
        %dma_wait3A_132 = arith.constant 0 : i32
        %dma_wait3A_133 = tpu.memref_slice %arg7[%add3A_127, %dma_wait3A_132] : memref<20000x64xf32, #tpu.memory_space<hbm>> -> memref<200x64xf32, #tpu.memory_space<hbm>>
        tpu.wait_dma2 semaphore(%run_scoped3A : memref<!tpu.dma_semaphore, #tpu.memory_space<semaphore_mem>>) src(%arg18 : memref<200x64xf32, #tpu.memory_space<vmem>>) dst(%dma_wait3A_133 : memref<200x64xf32, #tpu.memory_space<hbm>>)
        tpu.yield
      }) : () -> ()
    } else {
    }
    %add3A_109 = arith.constant 32 : i32
    %add3A_110 = arith.addi %add3A_109, %arg1 : i32
    %lt3A_111 = arith.constant 50 : i32
    %lt3A_112 = arith.cmpi slt, %add3A_110, %lt3A_111 : i32
    %convert_element_type3A_113 = arith.extui %lt3A_112 : i1 to i32
    %cond3A_114 = arith.constant 0 : i32
    %cond3A_115 = arith.cmpi ne, %convert_element_type3A_113, %cond3A_114 : i32
    scf.if %cond3A_115 {
      %mul3A_123 = arith.constant 200 : i32
      %mul3A_124 = arith.muli %add3A_110, %mul3A_123 : i32
      "tpu.region"() ({
        %run_scoped3A = tpu.sem_alloc : memref<!tpu.dma_semaphore, #tpu.memory_space<semaphore_mem>>
        %dma_start3A = arith.constant 0 : i32
        %dma_start3A_128 = tpu.memref_slice %arg19[%mul3A_124, %dma_start3A] : memref<10000x64xf32, #tpu.memory_space<vmem_shared>> -> memref<200x64xf32, #tpu.memory_space<vmem_shared>>
        %dma_start3A_129 = arith.constant 0 : i32
        %dma_start3A_130 = tpu.memref_slice %arg19[%mul3A_124, %dma_start3A_129] : memref<10000x64xf32, #tpu.memory_space<vmem_shared>> -> memref<200x64xf32, #tpu.memory_space<vmem_shared>>
        tpu.enqueue_dma source(%dma_start3A_130 : memref<200x64xf32, #tpu.memory_space<vmem_shared>>) target(%arg18 : memref<200x64xf32, #tpu.memory_space<vmem>>) target_semaphore(%run_scoped3A : memref<!tpu.dma_semaphore, #tpu.memory_space<semaphore_mem>>)
        %dma_wait3A = arith.constant 0 : i32
        %dma_wait3A_131 = tpu.memref_slice %arg19[%mul3A_124, %dma_wait3A] : memref<10000x64xf32, #tpu.memory_space<vmem_shared>> -> memref<200x64xf32, #tpu.memory_space<vmem_shared>>
        %dma_wait3A_132 = arith.constant 0 : i32
        %dma_wait3A_133 = tpu.memref_slice %arg19[%mul3A_124, %dma_wait3A_132] : memref<10000x64xf32, #tpu.memory_space<vmem_shared>> -> memref<200x64xf32, #tpu.memory_space<vmem_shared>>
        tpu.wait_dma2 semaphore(%run_scoped3A : memref<!tpu.dma_semaphore, #tpu.memory_space<semaphore_mem>>) src(%dma_wait3A_133 : memref<200x64xf32, #tpu.memory_space<vmem_shared>>) dst(%arg18 : memref<200x64xf32, #tpu.memory_space<vmem>>)
        tpu.yield
      }) : () -> ()
      %mul3A_125 = arith.constant 10000 : i32
      %mul3A_126 = arith.muli %arg0, %mul3A_125 : i32
      %add3A_127 = arith.addi %mul3A_126, %mul3A_124 : i32
      "tpu.region"() ({
        %run_scoped3A = tpu.sem_alloc : memref<!tpu.dma_semaphore, #tpu.memory_space<semaphore_mem>>
        %dma_start3A = arith.constant 0 : i32
        %dma_start3A_128 = tpu.memref_slice %arg7[%add3A_127, %dma_start3A] : memref<20000x64xf32, #tpu.memory_space<hbm>> -> memref<200x64xf32, #tpu.memory_space<hbm>>
        %dma_start3A_129 = arith.constant 0 : i32
        %dma_start3A_130 = tpu.memref_slice %arg7[%add3A_127, %dma_start3A_129] : memref<20000x64xf32, #tpu.memory_space<hbm>> -> memref<200x64xf32, #tpu.memory_space<hbm>>
        tpu.enqueue_dma source(%arg18 : memref<200x64xf32, #tpu.memory_space<vmem>>) target(%dma_start3A_130 : memref<200x64xf32, #tpu.memory_space<hbm>>) target_semaphore(%run_scoped3A : memref<!tpu.dma_semaphore, #tpu.memory_space<semaphore_mem>>)
        %dma_wait3A = arith.constant 0 : i32
        %dma_wait3A_131 = tpu.memref_slice %arg7[%add3A_127, %dma_wait3A] : memref<20000x64xf32, #tpu.memory_space<hbm>> -> memref<200x64xf32, #tpu.memory_space<hbm>>
        %dma_wait3A_132 = arith.constant 0 : i32
        %dma_wait3A_133 = tpu.memref_slice %arg7[%add3A_127, %dma_wait3A_132] : memref<20000x64xf32, #tpu.memory_space<hbm>> -> memref<200x64xf32, #tpu.memory_space<hbm>>
        tpu.wait_dma2 semaphore(%run_scoped3A : memref<!tpu.dma_semaphore, #tpu.memory_space<semaphore_mem>>) src(%arg18 : memref<200x64xf32, #tpu.memory_space<vmem>>) dst(%dma_wait3A_133 : memref<200x64xf32, #tpu.memory_space<hbm>>)
        tpu.yield
      }) : () -> ()
    } else {
    }
    %add3A_116 = arith.constant 48 : i32
    %add3A_117 = arith.addi %add3A_116, %arg1 : i32
    %lt3A_118 = arith.constant 50 : i32
    %lt3A_119 = arith.cmpi slt, %add3A_117, %lt3A_118 : i32
    %convert_element_type3A_120 = arith.extui %lt3A_119 : i1 to i32
    %cond3A_121 = arith.constant 0 : i32
    %cond3A_122 = arith.cmpi ne, %convert_element_type3A_120, %cond3A_121 : i32
    scf.if %cond3A_122 {
      %mul3A_123 = arith.constant 200 : i32
      %mul3A_124 = arith.muli %add3A_117, %mul3A_123 : i32
      "tpu.region"() ({
        %run_scoped3A = tpu.sem_alloc : memref<!tpu.dma_semaphore, #tpu.memory_space<semaphore_mem>>
        %dma_start3A = arith.constant 0 : i32
        %dma_start3A_128 = tpu.memref_slice %arg19[%mul3A_124, %dma_start3A] : memref<10000x64xf32, #tpu.memory_space<vmem_shared>> -> memref<200x64xf32, #tpu.memory_space<vmem_shared>>
        %dma_start3A_129 = arith.constant 0 : i32
        %dma_start3A_130 = tpu.memref_slice %arg19[%mul3A_124, %dma_start3A_129] : memref<10000x64xf32, #tpu.memory_space<vmem_shared>> -> memref<200x64xf32, #tpu.memory_space<vmem_shared>>
        tpu.enqueue_dma source(%dma_start3A_130 : memref<200x64xf32, #tpu.memory_space<vmem_shared>>) target(%arg18 : memref<200x64xf32, #tpu.memory_space<vmem>>) target_semaphore(%run_scoped3A : memref<!tpu.dma_semaphore, #tpu.memory_space<semaphore_mem>>)
        %dma_wait3A = arith.constant 0 : i32
        %dma_wait3A_131 = tpu.memref_slice %arg19[%mul3A_124, %dma_wait3A] : memref<10000x64xf32, #tpu.memory_space<vmem_shared>> -> memref<200x64xf32, #tpu.memory_space<vmem_shared>>
        %dma_wait3A_132 = arith.constant 0 : i32
        %dma_wait3A_133 = tpu.memref_slice %arg19[%mul3A_124, %dma_wait3A_132] : memref<10000x64xf32, #tpu.memory_space<vmem_shared>> -> memref<200x64xf32, #tpu.memory_space<vmem_shared>>
        tpu.wait_dma2 semaphore(%run_scoped3A : memref<!tpu.dma_semaphore, #tpu.memory_space<semaphore_mem>>) src(%dma_wait3A_133 : memref<200x64xf32, #tpu.memory_space<vmem_shared>>) dst(%arg18 : memref<200x64xf32, #tpu.memory_space<vmem>>)
        tpu.yield
      }) : () -> ()
      %mul3A_125 = arith.constant 10000 : i32
      %mul3A_126 = arith.muli %arg0, %mul3A_125 : i32
      %add3A_127 = arith.addi %mul3A_126, %mul3A_124 : i32
      "tpu.region"() ({
        %run_scoped3A = tpu.sem_alloc : memref<!tpu.dma_semaphore, #tpu.memory_space<semaphore_mem>>
        %dma_start3A = arith.constant 0 : i32
        %dma_start3A_128 = tpu.memref_slice %arg7[%add3A_127, %dma_start3A] : memref<20000x64xf32, #tpu.memory_space<hbm>> -> memref<200x64xf32, #tpu.memory_space<hbm>>
        %dma_start3A_129 = arith.constant 0 : i32
        %dma_start3A_130 = tpu.memref_slice %arg7[%add3A_127, %dma_start3A_129] : memref<20000x64xf32, #tpu.memory_space<hbm>> -> memref<200x64xf32, #tpu.memory_space<hbm>>
        tpu.enqueue_dma source(%arg18 : memref<200x64xf32, #tpu.memory_space<vmem>>) target(%dma_start3A_130 : memref<200x64xf32, #tpu.memory_space<hbm>>) target_semaphore(%run_scoped3A : memref<!tpu.dma_semaphore, #tpu.memory_space<semaphore_mem>>)
        %dma_wait3A = arith.constant 0 : i32
        %dma_wait3A_131 = tpu.memref_slice %arg7[%add3A_127, %dma_wait3A] : memref<20000x64xf32, #tpu.memory_space<hbm>> -> memref<200x64xf32, #tpu.memory_space<hbm>>
        %dma_wait3A_132 = arith.constant 0 : i32
        %dma_wait3A_133 = tpu.memref_slice %arg7[%add3A_127, %dma_wait3A_132] : memref<20000x64xf32, #tpu.memory_space<hbm>> -> memref<200x64xf32, #tpu.memory_space<hbm>>
        tpu.wait_dma2 semaphore(%run_scoped3A : memref<!tpu.dma_semaphore, #tpu.memory_space<semaphore_mem>>) src(%arg18 : memref<200x64xf32, #tpu.memory_space<vmem>>) dst(%dma_wait3A_133 : memref<200x64xf32, #tpu.memory_space<hbm>>)
        tpu.yield
      }) : () -> ()
    } else {
    }
    return
  }
}

module attributes {stable_mosaic.version = 14 : i64} {
  func.func @_u_body(%arg0: i32, %arg1: memref<1000x128xf32, #tpu.memory_space<vmem>>, %arg2: memref<128x128xf32, #tpu.memory_space<vmem>>, %arg3: memref<1000x128xf32, #tpu.memory_space<vmem>>) attributes {dimension_semantics = [#tpu.dimension_semantics<arbitrary>], iteration_bounds = array<i64: 10>, scalar_prefetch = 0 : i64, scratch_operands = 0 : i64, tpu.core_type = #tpu.core_type<tc>, window_params = [{transform_indices = @transform_0, window_bounds = array<i64: 1000, 128>}, {pipeline_mode = #tpu.pipeline_mode<synchronous>, transform_indices = @transform_1, window_bounds = array<i64: 128, 128>}, {transform_indices = @transform_2, window_bounds = array<i64: 1000, 128>}]} {
    %get3A = arith.constant 0 : index
    %get3A_0 = arith.constant 0 : index
    %get3A_1 = vector.load %arg1[%get3A, %get3A_0] : memref<1000x128xf32, #tpu.memory_space<vmem>>, vector<1000x128xf32>
    %get3A_2 = arith.constant 0 : index
    %get3A_3 = arith.constant 0 : index
    %get3A_4 = vector.load %arg2[%get3A_2, %get3A_3] : memref<128x128xf32, #tpu.memory_space<vmem>>, vector<128x128xf32>
    %dot_general3A = arith.constant dense<0.000000e+00> : vector<1000x128xf32>
    %dot_general3A_5 = tpu.matmul %get3A_1, %get3A_4, %dot_general3A {dimension_numbers = #tpu.dot_dimension_numbers<[1], [0], [0], [1], [0, 0, 1, 1], [], []>, transpose_lhs_hint = false} : vector<1000x128xf32>, vector<128x128xf32>, vector<1000x128xf32> -> vector<1000x128xf32>
    %swap3A = arith.constant 0 : index
    %swap3A_6 = arith.constant 0 : index
    %swap3A_7 = vector.load %arg3[%swap3A, %swap3A_6] : memref<1000x128xf32, #tpu.memory_space<vmem>>, vector<1000x128xf32>
    tpu.vector_store %arg3[%swap3A, %swap3A_6], %dot_general3A_5 {strides = array<i32>} : memref<1000x128xf32, #tpu.memory_space<vmem>>, vector<1000x128xf32>,
    return
  }
  func.func @transform_0(%arg0: i32) -> (i32, i32) {
    %c0_i32 = arith.constant 0 : i32
    %c0_i32_0 = arith.constant 0 : i32
    return %arg0, %c0_i32 : i32, i32
  }
  func.func @transform_1(%arg0: i32) -> (i32, i32) {
    %c0_i32 = arith.constant 0 : i32
    %c0_i32_0 = arith.constant 0 : i32
    %c0_i32_1 = arith.constant 0 : i32
    return %c0_i32, %c0_i32_0 : i32, i32
  }
  func.func @transform_2(%arg0: i32) -> (i32, i32) {
    %c0_i32 = arith.constant 0 : i32
    %c0_i32_0 = arith.constant 0 : i32
    return %arg0, %c0_i32 : i32, i32
  }
}

module attributes {stable_mosaic.version = 14 : i64} {
  func.func @_finalize_body(%arg0: memref<32x128xf32, #tpu.memory_space<vmem>>, %arg1: memref<32x128xf32, #tpu.memory_space<vmem>>, %arg2: memref<1x1xf32, #tpu.memory_space<smem>>, %arg3: memref<1x128xf32, #tpu.memory_space<vmem>>, %arg4: memref<1x128xf32, #tpu.memory_space<vmem>>) attributes {dimension_semantics = [], scalar_prefetch = 0 : i64, scratch_operands = 0 : i64, tpu.core_type = #tpu.core_type<tc>} {
    %get3A = arith.constant 0 : index
    %get3A_0 = arith.constant 0 : index
    %get3A_1 = memref.load %arg2[%get3A, %get3A_0] : memref<1x1xf32, #tpu.memory_space<smem>>
    %get3A_2 = arith.constant 0 : index
    %get3A_3 = arith.constant 0 : index
    %get3A_4 = vector.load %arg0[%get3A_2, %get3A_3] : memref<32x128xf32, #tpu.memory_space<vmem>>, vector<32x128xf32>
    %reduce_sum3A = arith.constant dense<0.000000e+00> : vector<128xf32>
    %reduce_sum3A_5 = vector.multi_reduction <add>, %get3A_4, %reduce_sum3A [0] : vector<32x128xf32> to vector<128xf32>
    %broadcast_in_dim3A = vector.shape_cast %reduce_sum3A_5 : vector<128xf32> to vector<1x128xf32>
    %get3A_6 = arith.constant 0 : index
    %get3A_7 = arith.constant 0 : index
    %get3A_8 = vector.load %arg1[%get3A_6, %get3A_7] : memref<32x128xf32, #tpu.memory_space<vmem>>, vector<32x128xf32>
    %reduce_sum3A_9 = arith.constant dense<0.000000e+00> : vector<128xf32>
    %reduce_sum3A_10 = vector.multi_reduction <add>, %get3A_8, %reduce_sum3A_9 [0] : vector<32x128xf32> to vector<128xf32>
    %broadcast_in_dim3A_11 = vector.shape_cast %reduce_sum3A_10 : vector<128xf32> to vector<1x128xf32>
    %div3A = arith.constant 3.200000e+05 : f32
    %div3A_12 = vector.broadcast %div3A : f32 to vector<1x128xf32>
    %div3A_13 = arith.divf %broadcast_in_dim3A, %div3A_12 : vector<1x128xf32>
    %mul3A = arith.mulf %get3A_1, %get3A_1 : f32
    %div3A_14 = arith.constant 3.200000e+05 : f32
    %div3A_15 = vector.broadcast %div3A_14 : f32 to vector<1x128xf32>
    %div3A_16 = arith.divf %broadcast_in_dim3A_11, %div3A_15 : vector<1x128xf32>
    %mul3A_17 = arith.mulf %div3A_13, %div3A_13 : vector<1x128xf32>
    %sub3A = arith.subf %div3A_16, %mul3A_17 : vector<1x128xf32>
    %mul3A_18 = vector.broadcast %mul3A : f32 to vector<1x128xf32>
    %mul3A_19 = arith.mulf %mul3A_18, %sub3A : vector<1x128xf32>
    %add3A = arith.constant 9.99999974E-6 : f32
    %add3A_20 = vector.broadcast %add3A : f32 to vector<1x128xf32>
    %add3A_21 = arith.addf %mul3A_19, %add3A_20 : vector<1x128xf32>
    %sqrt3A = math.sqrt %add3A_21 : vector<1x128xf32>
    %div3A_22 = arith.constant 1.000000e+00 : f32
    %div3A_23 = vector.broadcast %div3A_22 : f32 to vector<1x128xf32>
    %div3A_24 = arith.divf %div3A_23, %sqrt3A : vector<1x128xf32>
    %mul3A_25 = vector.broadcast %get3A_1 : f32 to vector<1x128xf32>
    %mul3A_26 = arith.mulf %mul3A_25, %div3A_24 : vector<1x128xf32>
    %swap3A = arith.constant 0 : index
    %swap3A_27 = arith.constant 0 : index
    %swap3A_28 = vector.load %arg3[%swap3A, %swap3A_27] : memref<1x128xf32, #tpu.memory_space<vmem>>, vector<1x128xf32>
    tpu.vector_store %arg3[%swap3A, %swap3A_27], %mul3A_26 {strides = array<i32>} : memref<1x128xf32, #tpu.memory_space<vmem>>, vector<1x128xf32>,
    %mul3A_29 = vector.broadcast %get3A_1 : f32 to vector<1x128xf32>
    %mul3A_30 = arith.mulf %mul3A_29, %div3A_13 : vector<1x128xf32>
    %neg3A = arith.constant 0.000000e+00 : f32
    %neg3A_31 = vector.broadcast %neg3A : f32 to vector<1x128xf32>
    %neg3A_32 = arith.subf %neg3A_31, %mul3A_30 : vector<1x128xf32>
    %mul3A_33 = arith.mulf %neg3A_32, %div3A_24 : vector<1x128xf32>
    %swap3A_34 = arith.constant 0 : index
    %swap3A_35 = arith.constant 0 : index
    %swap3A_36 = vector.load %arg4[%swap3A_34, %swap3A_35] : memref<1x128xf32, #tpu.memory_space<vmem>>, vector<1x128xf32>
    tpu.vector_store %arg4[%swap3A_34, %swap3A_35], %mul3A_33 {strides = array<i32>} : memref<1x128xf32, #tpu.memory_space<vmem>>, vector<1x128xf32>,
    return
  }
}

module attributes {stable_mosaic.version = 14 : i64} {
  func.func @_out_body(%arg0: i32, %arg1: memref<1000x128xf32, #tpu.memory_space<vmem>>, %arg2: memref<128x128xf32, #tpu.memory_space<vmem>>, %arg3: memref<1x1xf32, #tpu.memory_space<smem>>, %arg4: memref<1000x128xf32, #tpu.memory_space<vmem>>) attributes {dimension_semantics = [#tpu.dimension_semantics<arbitrary>], iteration_bounds = array<i64: 10>, scalar_prefetch = 0 : i64, scratch_operands = 0 : i64, tpu.core_type = #tpu.core_type<tc>, window_params = [{transform_indices = @transform_0, window_bounds = array<i64: 1000, 128>}, {pipeline_mode = #tpu.pipeline_mode<synchronous>, transform_indices = @transform_1, window_bounds = array<i64: 128, 128>}, {transform_indices = @transform_2, window_bounds = array<i64: 1, 1>}, {transform_indices = @transform_3, window_bounds = array<i64: 1000, 128>}]} {
    %get3A = arith.constant 0 : index
    %get3A_0 = arith.constant 0 : index
    %get3A_1 = memref.load %arg3[%get3A, %get3A_0] : memref<1x1xf32, #tpu.memory_space<smem>>
    %get3A_2 = arith.constant 0 : index
    %get3A_3 = arith.constant 0 : index
    %get3A_4 = vector.load %arg1[%get3A_2, %get3A_3] : memref<1000x128xf32, #tpu.memory_space<vmem>>, vector<1000x128xf32>
    %get3A_5 = arith.constant 0 : index
    %get3A_6 = arith.constant 0 : index
    %get3A_7 = vector.load %arg2[%get3A_5, %get3A_6] : memref<128x128xf32, #tpu.memory_space<vmem>>, vector<128x128xf32>
    %dot_general3A = arith.constant dense<0.000000e+00> : vector<1000x128xf32>
    %dot_general3A_8 = tpu.matmul %get3A_4, %get3A_7, %dot_general3A {dimension_numbers = #tpu.dot_dimension_numbers<[1], [0], [0], [1], [0, 0, 1, 1], [], []>, transpose_lhs_hint = false} : vector<1000x128xf32>, vector<128x128xf32>, vector<1000x128xf32> -> vector<1000x128xf32>
    %mul3A = vector.broadcast %get3A_1 : f32 to vector<1000x128xf32>
    %mul3A_9 = arith.mulf %mul3A, %dot_general3A_8 : vector<1000x128xf32>
    %swap3A = arith.constant 0 : index
    %swap3A_10 = arith.constant 0 : index
    %swap3A_11 = vector.load %arg4[%swap3A, %swap3A_10] : memref<1000x128xf32, #tpu.memory_space<vmem>>, vector<1000x128xf32>
    tpu.vector_store %arg4[%swap3A, %swap3A_10], %mul3A_9 {strides = array<i32>} : memref<1000x128xf32, #tpu.memory_space<vmem>>, vector<1000x128xf32>,
    return
  }
  func.func @transform_0(%arg0: i32) -> (i32, i32) {
    %c0_i32 = arith.constant 0 : i32
    %c0_i32_0 = arith.constant 0 : i32
    return %arg0, %c0_i32 : i32, i32
  }
  func.func @transform_1(%arg0: i32) -> (i32, i32) {
    %c0_i32 = arith.constant 0 : i32
    %c0_i32_0 = arith.constant 0 : i32
    %c0_i32_1 = arith.constant 0 : i32
    return %c0_i32, %c0_i32_0 : i32, i32
  }
  func.func @transform_2(%arg0: i32) -> (i32, i32) {
    %c0_i32 = arith.constant 0 : i32
    %c0_i32_0 = arith.constant 0 : i32
    %c0_i32_1 = arith.constant 0 : i32
    return %c0_i32, %c0_i32_0 : i32, i32
  }
  func.func @transform_3(%arg0: i32) -> (i32, i32) {
    %c0_i32 = arith.constant 0 : i32
    %c0_i32_0 = arith.constant 0 : i32
    return %arg0, %c0_i32 : i32, i32
  }
}

</mosaic_0001>

<sc_bundles>
// kernel: kernel.10.cloned.1.call-start
scs
__scs_entry_jumppad:
0x0: {  	(pc) =	sbr.rel $0x88, $3  }
0x1: {  	(tag) =	ssettag $0x0;
	lr =	simm.s32 $0x1  }
0x2: {  	[smem:$0x3F9D] =	sst lr;
	_ =	strace $0xD0000000  }
0x3: {  	_ = 	snop  }
0x4: {  	_ = 	snop  }
0x5: {  	_ = 	snop  }
0x6: {  	_ = 	snop  }
0x7: {  	_ = 	snop  }
__scs_overlays_trampoline_lowered:
0x8: {  	[smem:$0x3FAC] =	sst s0  }
0x9: {  	[smem:$0x3FAD] =	sst s1  }
0xa: {  	[smem:$0x3FAE] =	sst s2  }
0xb: {  	[smem:$0x3FAF] =	sst s3  }
0xc: {  	[smem:$0x3FB0] =	sst s4  }
0xd: {  	[smem:$0x3FB1] =	sst s5  }
0xe: {  	[smem:$0x3FB2] =	sst s6  }
0xf: {  	[smem:$0x3FB3] =	sst s7  }
0x10: {  	[smem:$0x3FB4] =	sst s8  }
0x11: {  	[smem:$0x3FB5] =	sst s9;
	s0 =	simm.s32 @!p0 $0x0  }
0x12: {  	s1 =	sld [smem:$0x3F9B];
	s0 =	simm.s32 @p0 $0x1  }
0x13: {  	[smem:$0x3FB6] =	sst s0;
	s0 =	simm.s32 @!p1 $0x0  }
0x14: {  	s2 =	sld [smem:$0x3F9A];
	s0 =	simm.s32 @p1 $0x1  }
0x15: {  	[smem:$0x3FB7] =	sst s0;
	s0 =	simm.s32 @!p2 $0x0  }
0x16: {  	s3 =	sld [smem:$0x3FDB];
	s0 =	simm.s32 @p2 $0x1  }
0x17: {  	s4 =	simm.s32 $0x1BF5;
	[smem:$0x3FB9] =	sst s0  }
0x18: {  	s0 =	sld [smem:$0x3F9C];
	_ =	swait.ge [sflag:s4], $0x0  }
0x19: {  	s7 =	sld [smem:$0x3F9D]  }
0x1a: {  	s8 =	sadd.s32 $0xFFFFE003, lr  }
0x1b: {  	s9 =	sadd.s32 $0xFFFFFEF7, lr;
	s5 =	simm.s32 $0xFFFFFFFF;
	p2 =	slt.u32 s8, $0xFFFFF086  }
0x1c: {  	p1 =	slt.u32 s9, $0xF7A;
	s5 =	simm.s32 @!p2 $0x0  }
0x1d: {  	s5 =	simm.s32 @p1 $0x1;
	p0 =	seq.s32 s7, s2  }
0x1e: {  	s7 =	smul.u32 @!p0 $0xF7A, s2;
	p2 =	seq.s32 @!p0 s5, $0x0  }
0x1f: {  	s9 =	smul.u32 $0xF7A, s1;
	s8 =	simm.s32 @!p0 $0x1BF5;
	p2 =	por !p2, p0  }
0x20: {  	[sflag:s8] =	ssyncset.s32 @!p0 $0xFFFFF086;
	s6 =	sadd.s32 @!p0 s3, s7;
	s7 =	simm.s32 @!p0 $0x108  }
0x21: {  	s3 =	sadd.s32 s3, s9;
	s6 =	sadd.s32 @!p0 $0x88, s6;
	s7 =	simm.s32 @p2 $0x1082  }
0x22: {  	[simem:s7], [sflag:s8] =	dma.local @!p0 [hbm:s6], $0xF7A  }
0x23: {  	s9 =	sor.u32 $0xD0000000, s2;
	s6 =	simm.s32 $0x108;
	_ =	swait.ge @!p0 [sflag:s8], $0x0  }
0x24: {  	s3 =	sadd.s32 $0x88, s3;
	s6 =	simm.s32 @!p1 $0x1082;
	[sflag:s4] =	ssyncset.s32 $0xFFFFF086  }
0x25: {  	[simem:s6], [sflag:s4] =	dma.local [hbm:s3], $0xF7A  }
0x26: {  	[smem:$0x3F9D] =	sst s1;
	(tag) =	ssettag s2;
	_ =	strace s9  }
0x27: {  	s1 =	sld [smem:$0x3FAD]  }
0x28: {  	s2 =	sld [smem:$0x3FAE]  }
0x29: {  	s4 =	sld [smem:$0x3FB0]  }
0x2a: {  	p0 =	seq.s32 s5, $0x0;
	s5 =	sld [smem:$0x3FB1]  }
0x2b: {  	s6 =	sld [smem:$0x3FB2]  }
0x2c: {  	s7 =	sld [smem:$0x3FB3]  }
0x2d: {  	s3 =	simm.s32 $0x108;
	s8 =	sld [smem:$0x3FB4]  }
0x2e: {  	s3 =	simm.s32 @!p0 $0x1082;
	s9 =	sld [smem:$0x3FB5]  }
0x2f: {  	lr =	sadd.s32 s0, s3;
	s0 =	sld [smem:$0x3FAC]  }
0x30: {  	s3 =	sld [smem:$0x3FAF]  }
0x31: {  	[smem:$0x3FB8] =	sst s10  }
0x32: {  	s10 =	sld [smem:$0x3FB6];
	_ =	sdelay $0x3  }
0x33: {  	p0 =	seq.s32 s10, $0x1;
	s10 =	sld [smem:$0x3FB8];
	_ =	sdelay $0x3  }
0x34: {  	[smem:$0x3FB8] =	sst s10  }
0x35: {  	s10 =	sld [smem:$0x3FB7];
	_ =	sdelay $0x3  }
0x36: {  	p1 =	seq.s32 s10, $0x1;
	s10 =	sld [smem:$0x3FB8];
	_ =	sdelay $0x3  }
0x37: {  	[smem:$0x3FB8] =	sst s10  }
0x38: {  	s10 =	sld [smem:$0x3FB9]  }
0x39: {  	_ = 	snop;
	(pc) =	sbr.ind lr, $3  }
0x3a: {  	_ = 	snop  }
0x3b: {  	_ = 	snop  }
0x3c: {  	p2 =	seq.s32 s10, $0x1;
	s10 =	sld [smem:$0x3FB8]  }
0x3d: {  	_ =	shalt  }
0x3e: {  	_ =	shalt  }
0x3f: {  	_ =	shalt  }
0x40: {  	_ =	shalt  }
0x41: {  	_ =	shalt  }
0x42: {  	_ =	shalt  }
0x43: {  	_ =	shalt  }
0x44: {  	_ =	shalt  }
0x45: {  	_ =	shalt  }
0x46: {  	_ =	shalt  }
0x47: {  	_ =	shalt  }
0x48: {  	_ =	shalt  }
0x49: {  	_ =	shalt  }
0x4a: {  	_ =	shalt  }
0x4b: {  	_ =	shalt  }
0x4c: {  	_ =	shalt  }
0x4d: {  	_ =	shalt  }
0x4e: {  	_ =	shalt  }
0x4f: {  	_ =	shalt  }
0x50: {  	_ =	shalt  }
0x51: {  	_ =	shalt  }
0x52: {  	_ =	shalt  }
0x53: {  	_ =	shalt  }
0x54: {  	_ =	shalt  }
0x55: {  	_ =	shalt  }
0x56: {  	_ =	shalt  }
0x57: {  	_ =	shalt  }
0x58: {  	_ =	shalt  }
0x59: {  	_ =	shalt  }
0x5a: {  	_ =	shalt  }
0x5b: {  	_ =	shalt  }
0x5c: {  	_ =	shalt  }
0x5d: {  	_ =	shalt  }
0x5e: {  	_ =	shalt  }
0x5f: {  	_ =	shalt  }
0x60: {  	_ =	shalt  }
0x61: {  	_ =	shalt  }
0x62: {  	_ =	shalt  }
0x63: {  	_ =	shalt  }
0x64: {  	_ =	shalt  }
0x65: {  	_ =	shalt  }
0x66: {  	_ =	shalt  }
0x67: {  	_ =	shalt  }
0x68: {  	_ =	shalt  }
0x69: {  	_ =	shalt  }
0x6a: {  	_ =	shalt  }
0x6b: {  	_ =	shalt  }
0x6c: {  	_ =	shalt  }
0x6d: {  	_ =	shalt  }
0x6e: {  	_ =	shalt  }
0x6f: {  	_ =	shalt  }
0x70: {  	_ =	shalt  }
0x71: {  	_ =	shalt  }
0x72: {  	_ =	shalt  }
0x73: {  	_ =	shalt  }
0x74: {  	_ =	shalt  }
0x75: {  	_ =	shalt  }
0x76: {  	_ =	shalt  }
0x77: {  	_ =	shalt  }
0x78: {  	_ =	shalt  }
0x79: {  	_ =	shalt  }
0x7a: {  	_ =	shalt  }
0x7b: {  	_ =	shalt  }
0x7c: {  	_ =	shalt  }
0x7d: {  	_ =	shalt  }
0x7e: {  	_ =	shalt  }
0x7f: {  	_ =	shalt  }
0x80: {  	_ =	shalt  }
0x81: {  	_ =	shalt  }
0x82: {  	_ =	shalt  }
0x83: {  	_ =	shalt  }
0x84: {  	_ =	shalt  }
0x85: {  	_ =	shalt  }
0x86: {  	_ =	shalt  }
0x87: {  	_ =	shalt  }
.Lfunc_end0:
.L_simem_size_0:
called_computation.1_lowered:
.L_overlay_start_0:
0x88: {  	s2 =	sld [smem:$0x3FD9]  }
0x89: {  	s3 =	sld [smem:$0x3FFE];
	_ =	sdelay $0x1  }
0x8a: {  	s1 =	srdreg.scid  }
0x8b: {  	s0 =	sand.u32 $0x1, s1  }
0x8c: {  	s17 =	sshll.u32 s0, $0xA;
	s2 =	sadd.s32 s3, s2  }
0x8d: {  	s2 =	sadd.s32 s2, s17  }
0x8e: {  	[smem:$0x3FC4] =	sst s2  }
0x8f: {  	_ = 	snop  }
0x90: {  	s2 =	sld [smem:$0x3FD0];
	(tm) =	ssettm $0x1  }
0x91: {  	s18 =	sld [smem:$0x3FFB];
	_ =	sdelay $0x3  }
0x92: {  	_ =	strace s18  }
0x93: {  	s3 =	sld [smem:$0x3FFC];
	_ =	sdelay $0x3  }
0x94: {  	_ =	strace s3  }
0x95: {  	s3 =	sld [smem:$0x3FFD];
	_ =	sdelay $0x3  }
0x96: {  	_ =	strace s3  }
0x97: {  	_ =	strace $0x8FFFFFFF  }
0x98: {  	s19 =	sld [smem:$0x3FDB];
	_ =	sdelay $0x1  }
0x99: {  	s4 =	simm.s32 $_scs_section_size  }
0x9a: {  	s5 =	simm.s32 $_size__tile_overlayer_lowered;
	s6 =	simm.s32 $_tile_overlayer_lowered  }
0x9b: {  	s22 =	simm.s32 $0x1BFF;
	s21 =	sshll.u32 s6, $0x1;
	s3 =	sadd.s32 s4, s19  }
0x9c: {  	s7 =	simm.s32 $0x0;
	s20 =	sshll.u32 s5, $0x1;
	s5 =	sadd.s32 s21, s3  }
0x9d: {  	[timem:s7], [sflag:s22] =	dma.local [hbm:s5], s20  }
0x9e: {  	_ =	swait.ge [sflag:s22], s20  }
0x9f: {  	s4 =	ssub.s32 $0x0, s20;
	[sflag:s22] =	ssyncset.done $0x0  }
0xa0: {  	[sflag:s22] =	ssyncadd.s32 s4;
	_ =	sdelay $0x1  }
0xa1: {  	s23 =	simm.s32 $0x1B8B  }
0xa2: {  	_ =	swait.ge [sflag:s23], $0x1  }
0xa3: {  	[sflag:s23] =	ssyncset.done $0x0  }
0xa4: {  	s25 =	simm.s32 $0x1B8E;
	s24 =	sld [smem:$0x3FFE];
	[sflag:s23] =	ssyncadd.s32 $0xFFFFFFFF  }
0xa5: {  	s26 =	simm.s32 $execute0_lowered;
	[smem:$0x3FD2] =	sst s25  }
0xa6: {  	s5 =	sshll.u32 s26, $0x1;
	_ =	strace $0x80000049;
	[dreg:$0x1] =	wrdreg $0xFFFFFFFF  }
0xa7: {  	s28 =	simm.s32 $_size_execute0_lowered;
	s3 =	sadd.s32 s3, s5;
	[dreg:$0x0] =	wrdreg $0x0  }
0xa8: {  	s5 =	sshll.u32 s28, $0x1;
	[dreg:$0x2] =	wrdreg s3  }
0xa9: {  	[dreg:$0x3] =	wrdreg s5  }
0xaa: {  	[dreg:$0x4] =	wrdreg $0xC0  }
0xab: {  	_ =	task [dreg:s7], $0x5FFFF  }
0xac: {  	[dreg:$0x1] =	wrdreg $0xFFFFFFFF  }
0xad: {  	[dreg:$0x0] =	wrdreg $0x60  }
0xae: {  	[dreg:$0x2] =	wrdreg s24  }
0xaf: {  	[dreg:$0x3] =	wrdreg s2  }
0xb0: {  	[dreg:$0x4] =	wrdreg $0x84400  }
0xb1: {  	[dreg:$0x5] =	wrdreg $0x9  }
0xb2: {  	_ =	task.clear_ibuf [dreg:s7], $0x6FFFF;
	_ =	strace $0x90000049  }
0xb3: {  	s29 =	simm.s32 $0x9;
	_ =	strace $0x8000004B  }
0xb4: {  	_ =	swait.ge [sflag:s29], $0x1  }
0xb5: {  	[sflag:s29] =	ssyncadd.s32 $0xFFFFFFFF  }
0xb6: {  	_ =	strace $0x9000004B  }
0xb7: {  	_ =	sfence  }
0xb8: {  	s30 =	sld [smem:$0x0];
	_ =	sdelay $0x2  }
0xb9: {  	s31 =	sshll.u32 s1, $0xD;
	s1 =	sshrl.u32 s1, $0x2  }
0xba: {  	s3 =	sand.u32 $0x4000, s31;
	s1 =	sadd.s32 s1, s30  }
0xbb: {  	s0 =	sor.u32 s3, s0;
	s1 =	sshll.u32 s1, $0x11  }
0xbc: {  	s0 =	sor.u32 s1, s0  }
0xbd: {  	s0 =	sadd.s32 $0x8F2B, s0  }
0xbe: {  	[sflag:s0] =	ssyncadd.remote.s32 $0x1  }
0xbf: {  	_ =	sfence.sel $0xFFFF  }
0xc0: {  	[dreg:$0x0] =	wrdreg $0xFFFFFFFF;
	(pc) =	sbr.abs _section_cstart, $3  }
0xc1: {  	[dreg:$0x1] =	wrdreg $0xFFFFFFFF  }
0xc2: {  	_ =	task.clear_ibuf [dreg:s7], $0x2FFFF;
	_ =	strace $0x9FFFFFFF  }
0xc3: {  	(tm) =	ssettm $0x7FFFFFFF  }
tec
execute0_lowered:
.L_overlay_start_1:
0x0: {  	(tag) =	ssettag $0x1  }
0x1: {  	s0 =	rddreg [dreg:$0x0]  }
0x2: {  	s3 =	rddreg [dreg:$0x1]  }
0x3: {  	s1 =	rddreg [dreg:$0x2];
	s2 =	simm.s32 $0x0  }
0x4: {  	s19 =	stileid.u32;
	s23 =	srdreg.scid;
	s30 =	simm.s32 $0x50  }
0x5: {  	s31 =	simm.s32 $0xA0;
	s28 =	simm.s32 $0x1540;
	s9 =	smul.u32 $0x4E20, s19  }
0x6: {  	s29 =	simm.s32 $0x1;
	[smem:$0x7FF] =	sst s2;
	s24 =	smul.u32 $0xC800, s19  }
0x7: {  	s4 =	sadd.s32 $0x16200, s0;
	s8 =	sor.u32 $0x10, s19;
	s18 =	smul.u32 $0xC8, s19  }
0x8: {  	s5 =	sadd.s32 $0xBE00, s0;
	s13 =	sor.u32 $0x20, s19;
	s11 =	smul.u32 $0xC800, s8  }
0x9: {  	s6 =	sadd.s32 $0x2000, s0;
	s14 =	sor.u32 $0x30, s19;
	s12 =	smul.u32 $0xC800, s13  }
0xa: {  	s7 =	sadd.s32 $0x15C00, s0;
	s0 =	sadd.s32 $0x15E00, s0;
	s16 =	smul.u32 $0xC800, s14  }
0xb: {  	p0 =	sgt.u32 s19, $0x1;
	_ =	strace $0x8000004A;
	s26 =	smul.u32 $0xC8, s8  }
0xc: {  	[dreg:$0x5] =	wrdreg s0;
	s0 =	sand.u32 $0x1, s23;
	s21 =	smul.u32 $0xC8, s13  }
0xd: {  	[dreg:$0x4] =	wrdreg s7;
	s14 =	smul.u32 $0xC8, s14;
	s10 =	ssub.s32 $0x2, s0  }
0xe: {  	s7 =	sshrl.u32 s24, $0x2;
	s17 =	smul.u32 $0x2710, s0;
	p1 =	seq.s32 s0, $0x0  }
0xf: {  	s0 =	simm.s32 $0x5150;
	s15 =	sshrl.u32 s10, $0x1;
	s25 =	sshrl.u32 s11, $0x2  }
0x10: {  	s12 =	sshrl.u32 s12, $0x2;
	s16 =	sshrl.u32 s16, $0x2;
	s0 =	simm.s32 @!p1 $0x5190  }
0x11: {  	s15 =	ssub.s32 s10, s15;
	s10 =	sadd.s32 s7, s1;
	s11 =	sadd.s32 s25, s1  }
0x12: {  	s12 =	sadd.s32 s12, s1;
	s20 =	sadd.s32 s18, s17;
	s13 =	sadd.s32 s16, s1  }
0x13: {  	s7 =	sadd.s32 s17, s26;
	s23 =	sadd.s32 s17, s21;
	s14 =	sadd.s32 s17, s14  }
0x14: {  	[dreg:$0xb] =	wrdreg s0;
	s0 =	simm.s32 $0x5160;
	s22 =	sshll.u32 s20, $0x3  }
0x15: {  	s7 =	sshll.u32 s7, $0x3;
	s25 =	sshll.u32 s14, $0x3;
	s26 =	smax.u32 s15, $0x1  }
0x16: {  	s0 =	simm.s32 @!p1 $0x51A0;
	s14 =	simm.s32 $0x3D40;
	[dreg:$0xa] =	wrdreg s26  }
0x17: {  	s15 =	simm.s32 $0x0;
	s8 =	sadd.s32 s3, s22;
	[dreg:$0xd] =	wrdreg s0  }
0x18: {  	s7 =	sadd.s32 s3, s7;
	s0 =	simm.s32 $0x51E0;
	[dreg:$0x6] =	wrdreg s8  }
0x19: {  	s26 =	simm.s32 $0x3;
	s8 =	sshll.u32 s23, $0x3;
	[dreg:$0x7] =	wrdreg s7  }
0x1a: {  	s23 =	simm.s32 $0x5170;
	s0 =	simm.s32 @!p1 $0x5220;
	s7 =	simm.s32 $0x2  }
0x1b: {  	s24 =	sadd.s32 s3, s8;
	s3 =	sadd.s32 s3, s25;
	[dreg:$0xe] =	wrdreg s0  }
0x1c: {  	s23 =	simm.s32 @!p1 $0x51B0;
	s25 =	simm.s32 $0x5240;
	s0 =	simm.s32 $0x140  }
0x1d: {  	s8 =	simm.s32 $0x2940;
	[dreg:$0x9] =	wrdreg s3;
	s3 =	simm.s32 $0x51D0  }
0x1e: {  	[dreg:$0x8] =	wrdreg s24;
	s24 =	simm.s32 $0x51F0;
	s3 =	simm.s32 @!p1 $0x5210  }
0x1f: {  	v1 =	vimm.f32 $0.0e+00;
	v0 =	vmov s17;
	s24 =	simm.s32 @!p1 $0x5230;
	[dreg:$0xc] =	wrdreg s3;
	s3 =	simm.s32 $0xF0  }
.LBB2_1:
0x20: {  	s17 =	simm.s32 $0x100;
	s16 =	simm.s32 $0x0  }
.LBB2_2:
0x21: {  	p2 =	sne.s32 s17, $0xC700;
	[tilespmem:s16+$0x5270] =	vst v1;
	s18 =	smov.u32 s17;
	s17 =	sadd.s32 $0x100, s17  }
.Ltmp0:
0x22: {  	[tilespmem:s16+$0x5260] =	vst v1;
	(pc) =	sbr.rel @p2 .LBB2_2-.Ltmp0, $3  }
0x23: {  	[tilespmem:s16+$0x5240] =	vst v1  }
0x24: {  	[tilespmem:s16+$0x5250] =	vst v1;
	_ =	sdelay $0x1  }
0x25: {  	s16 =	sshra.s32 s18, $0x2  }
0x26: {  	[tilespmem:s16+$0x5270] =	vst v1  }
0x27: {  	[tilespmem:s16+$0x5260] =	vst v1  }
0x28: {  	[tilespmem:s16+$0x5240] =	vst v1  }
0x29: {  	[tilespmem:s16+$0x5250] =	vst v1  }
0x2a: {  	[spmem:s10] =	stream.linear.scatter [tilespmem:s25], [sflag:$0x3], $0x3200, $0x38;
	[tilespmem:$0x12080] =	vst v63  }
0x2b: {  	_ =	swait.ge [sflag:s26], $0x3200  }
0x2c: {  	[sflag:s26] =	ssyncset.done $0x0  }
0x2d: {  	[sflag:s26] =	ssyncadd.s32 $0xFFFFCE00  }
0x2e: {  	[spmem:s11] =	stream.linear.scatter [tilespmem:s25], [sflag:$0x3], $0x3200, $0x38;
	[tilespmem:$0x12080] =	vst v63  }
0x2f: {  	_ =	swait.ge [sflag:s26], $0x3200  }
0x30: {  	[sflag:s26] =	ssyncset.done $0x0  }
0x31: {  	[sflag:s26] =	ssyncadd.s32 $0xFFFFCE00  }
0x32: {  	[spmem:s12] =	stream.linear.scatter [tilespmem:s25], [sflag:$0x3], $0x3200, $0x38;
	[tilespmem:$0x12080] =	vst v63  }
0x33: {  	_ =	swait.ge [sflag:s26], $0x3200  }
0x34: {  	[sflag:s26] =	ssyncset.done $0x0  }
0x35: {  	s16 =	simm.s32 @!p0 $0x5240;
	[sflag:s26] =	ssyncadd.s32 $0xFFFFCE00  }
0x36: {  	[spmem:s13] =	stream.linear.scatter @!p0 [tilespmem:s16], [sflag:$0x3], $0x3200, $0x38;
	[tilespmem:$0x12080] =	vst v63  }
0x37: {  	s16 =	simm.s32 @!p0 $0x3  }
0x38: {  	_ =	swait.ge @!p0 [sflag:s16], $0x3200  }
0x39: {  	[sflag:s16] =	ssyncset.done @!p0 $0x0  }
0x3a: {  	[sflag:s16] =	ssyncadd.s32 @!p0 $0xFFFFCE00  }
0x3b: {  	[bflag:$0x0] =	sbarrier.arrive $0xFFFF  }
0x3c: {  	s18 =	simm.s32 $0x5140;
	s16 =	simm.s32 $0x0;
	s17 =	rddreg [dreg:$0x4]  }
0x3d: {  	[tilespmem:s18], [sflag:$0x3] =	stream.linear.gather [hbm4b:s17+s16], $0x80, $0x38;
	[tilespmem:$0x12080] =	vst v63  }
0x3e: {  	_ =	swait.ge [sflag:s26], $0x80  }
0x3f: {  	[sflag:s26] =	ssyncset.done $0x0  }
0x40: {  	s22 =	simm.s32 $0x51C0;
	s21 =	rddreg [dreg:$0x5];
	[sflag:s26] =	ssyncadd.s32 $0xFFFFFF80  }
0x41: {  	[tilespmem:s22], [sflag:$0x3] =	stream.linear.gather [hbm4b:s21+s16], $0x80, $0x38;
	[tilespmem:$0x12080] =	vst v63  }
0x42: {  	_ =	swait.ge [sflag:s26], $0x80  }
0x43: {  	s17 =	simm.s32 $0x5140;
	[sflag:s26] =	ssyncset.done $0x0  }
0x44: {  	s18 =	simm.s32 $0x51C0;
	s17 =	simm.s32 @!p1 $0x5180;
	[sflag:s26] =	ssyncadd.s32 $0xFFFFFF80  }
0x45: {  	s18 =	simm.s32 @!p1 $0x5200;
	v2 =	vld [tilespmem:s17+$0x0]  }
0x46: {  	s19 =	rddreg [dreg:$0xb];
	v3 =	vld [tilespmem:s18+$0x0]  }
0x47: {  	s20 =	rddreg [dreg:$0xc];
	v4 =	vld [tilespmem:s19+$0x0]  }
0x48: {  	v5 =	vld [tilespmem:s20+$0x0]  }
0x49: {  	s21 =	rddreg [dreg:$0xd];
	v9 =	vld [tilespmem:s24+$0x0]  }
0x4a: {  	s22 =	rddreg [dreg:$0xe];
	v6 =	vld [tilespmem:s21+$0x0]  }
0x4b: {  	v7 =	vld [tilespmem:s22+$0x0]  }
0x4c: {  	v8 =	vld [tilespmem:s23+$0x0];
	s17 =	simm.s32 $0x0  }
.LBB2_4:
0x4d: {  	s18 =	smul.u32 $0x50, s17;
	_ =	sdelay $0x1  }
0x4e: {  	s18 =	sadd.s32 s9, s18  }
0x4f: {  	s18 =	sshrl.u32 s18, $0x3  }
0x50: {  	s19 =	sadd.s32 s5, s18  }
0x51: {  	[tilespmem:s16], [sflag:$0x3] =	stream.linear.gather [hbm4b:s19+s16], $0x50, $0x38;
	[tilespmem:$0x12080] =	vst v63  }
0x52: {  	_ =	swait.ge [sflag:s26], $0x50  }
0x53: {  	[sflag:s26] =	ssyncset.done $0x0  }
0x54: {  	s18 =	sadd.s32 s6, s18;
	[sflag:s26] =	ssyncadd.s32 $0xFFFFFFB0  }
0x55: {  	[tilespmem:s30], [sflag:$0x3] =	stream.linear.gather [hbm4b:s18+s16], $0x50, $0x38;
	[tilespmem:$0x12080] =	vst v63  }
0x56: {  	_ =	swait.ge [sflag:s26], $0x50  }
0x57: {  	[sflag:s26] =	ssyncset.done $0x0  }
0x58: {  	[sflag:s26] =	ssyncadd.s32 $0xFFFFFFB0  }
0x59: {  	v10 =	vld [tilespmem:$0x0]  }
0x5a: {  	v11 =	vld [tilespmem:$0x50]  }
0x5b: {  	v12 =	vld [tilespmem:$0x10]  }
0x5c: {  	v13 =	vld [tilespmem:$0x60]  }
0x5d: {  	v14 =	vld [tilespmem:$0x20]  }
0x5e: {  	v15 =	vld [tilespmem:$0x70];
	v10 =	vadd.s32 v0, v10  }
0x5f: {  	[tilespmem:$0xA0] =	vst v10;
	v10 =	vadd.s32 v0, v11;
	v11 =	vld [tilespmem:$0x30]  }
0x60: {  	[tilespmem:$0xF0] =	vst v10;
	v10 =	vadd.s32 v0, v12;
	v12 =	vld [tilespmem:$0x80]  }
0x61: {  	[tilespmem:$0xB0] =	vst v10;
	v10 =	vadd.s32 v0, v13;
	v13 =	vld [tilespmem:$0x40]  }
0x62: {  	[tilespmem:$0x100] =	vst v10;
	v10 =	vadd.s32 v0, v14;
	v14 =	vld [tilespmem:$0x90]  }
0x63: {  	[tilespmem:$0xC0] =	vst v10;
	v10 =	vadd.s32 v0, v15  }
0x64: {  	[tilespmem:$0x110] =	vst v10;
	v10 =	vadd.s32 v0, v11  }
0x65: {  	[tilespmem:$0xD0] =	vst v10;
	v10 =	vadd.s32 v0, v12  }
0x66: {  	[tilespmem:$0x120] =	vst v10;
	v10 =	vadd.s32 v0, v13  }
0x67: {  	[tilespmem:$0xE0] =	vst v10;
	v10 =	vadd.s32 v0, v14  }
0x68: {  	[tilespmem:$0x130] =	vst v10  }
0x69: {  	[tilespmem:s0], [sflag:$0x1] =	stream.indirect.gather [hbm4b:s4+s30], $0x40, s31, s30, $0xb8;
	[tilespmem:$0x12080] =	vst v63  }
0x6a: {  	_ = 	snop  }
0x6b: {  	[tilespmem:s28], [sflag:$0x2] =	stream.indirect.gather [hbm4b:s4+s30], $0x40, s3, s30, $0xb8;
	[tilespmem:$0x12080] =	vst v63  }
0x6c: {  	_ =	swait.ge [sflag:s29], $0x1400  }
0x6d: {  	[sflag:s29] =	ssyncset.done $0x0  }
0x6e: {  	[sflag:s29] =	ssyncadd.s32 $0xFFFFEC00  }
0x6f: {  	_ =	swait.ge [sflag:s7], $0x1400  }
0x70: {  	[sflag:s7] =	ssyncset.done $0x0  }
0x71: {  	s20 =	simm.s32 $0x0;
	[sflag:s7] =	ssyncadd.s32 $0xFFFFEC00  }
0x72: {  	v10 =	vld [tilespmem:s20+$0x170]  }
0x73: {  	v11 =	vld [tilespmem:s20+$0x1570]  }
0x74: {  	v12 =	vld [tilespmem:s20+$0x140]  }
0x75: {  	v13 =	vld [tilespmem:s20+$0x1540]  }
0x76: {  	v14 =	vld [tilespmem:s20+$0x150]  }
0x77: {  	v15 =	vld [tilespmem:s20+$0x1550]  }
0x78: {  	v16 =	vld [tilespmem:s20+$0x160];
	v10 =	vsub.f32 v10, v11  }
0x79: {  	s18 =	simm.s32 $0x40;
	v17 =	vld [tilespmem:s20+$0x1560]  }
0x7a: {  	v18 =	vld [tilespmem:s18+$0x1570];
	v10 =	vmul.f32 v10, v8  }
0x7b: {  	v19 =	vld [tilespmem:s18+$0x140]  }
0x7c: {  	v20 =	vld [tilespmem:s18+$0x1540];
	v12 =	vsub.f32 v12, v13;
	v10 =	vadd.f32 v10, v9  }
0x7d: {  	v21 =	vld [tilespmem:s18+$0x1550]  }
0x7e: {  	v11 =	vld [tilespmem:s18+$0x170];
	v14 =	vsub.f32 v14, v15;
	v12 =	vmul.f32 v12, v2;
	v10 =	vmax.f32 v10, $0.0e+00  }
0x7f: {  	v22 =	vld [tilespmem:s18+$0x160];
	v15 =	vsub.f32 $0.0e+00, v10  }
0x80: {  	v13 =	vld [tilespmem:s18+$0x150];
	[tilespmem:s20+$0x2970] =	vst v10;
	v10 =	vadd.f32 v12, v3;
	v12 =	vmul.f32 v14, v4;
	v14 =	vsub.f32 v16, v17;
	_ =	sdelay $0x1  }
0x81: {  	s19 =	simm.s32 $0x80;
	v23 =	vld [tilespmem:s18+$0x1560];
	[tilespmem:s20+$0x3D70] =	vst v15;
	v10 =	vmax.f32 v10, $0.0e+00;
	v12 =	vadd.f32 v12, v5;
	v14 =	vmul.f32 v14, v6  }
0x82: {  	v11 =	vsub.f32 v11, v18;
	v15 =	vld [tilespmem:s19+$0x170];
	[tilespmem:s20+$0x2940] =	vst v10  }
0x83: {  	v10 =	vsub.f32 $0.0e+00, v10;
	v16 =	vld [tilespmem:s19+$0x1570];
	v12 =	vmax.f32 v12, $0.0e+00;
	v14 =	vadd.f32 v14, v7  }
0x84: {  	v11 =	vmul.f32 v11, v8;
	v17 =	vld [tilespmem:s19+$0x140];
	[tilespmem:s20+$0x2950] =	vst v12  }
0x85: {  	v19 =	vsub.f32 v19, v20;
	v18 =	vld [tilespmem:s19+$0x1540];
	[tilespmem:s20+$0x3D40] =	vst v10;
	v24 =	vmax.f32 v14, $0.0e+00;
	v14 =	vsub.f32 $0.0e+00, v12  }
0x86: {  	v11 =	vadd.f32 v11, v9;
	v10 =	vld [tilespmem:s19+$0x150];
	[tilespmem:s20+$0x2960] =	vst v24  }
0x87: {  	v13 =	vsub.f32 v13, v21;
	v12 =	vld [tilespmem:s19+$0x1550];
	[tilespmem:s20+$0x3D50] =	vst v14;
	v14 =	vmul.f32 v19, v2  }
0x88: {  	v20 =	vsub.f32 v22, v23;
	v19 =	vmax.f32 v11, $0.0e+00  }
0x89: {  	v13 =	vmul.f32 v13, v4;
	v11 =	vld [tilespmem:s19+$0x160];
	v21 =	vsub.f32 $0.0e+00, v19;
	[tilespmem:s18+$0x2970] =	vst v19;
	v19 =	vadd.f32 v14, v3  }
0x8a: {  	v23 =	vmul.f32 v20, v6;
	v22 =	vsub.f32 v15, v16  }
0x8b: {  	s21 =	simm.s32 $0xC0;
	v20 =	vsub.f32 $0.0e+00, v24;
	v16 =	vadd.f32 v13, v5;
	v14 =	vld [tilespmem:s19+$0x1560];
	[tilespmem:s18+$0x3D70] =	vst v21;
	v19 =	vmax.f32 v19, $0.0e+00  }
0x8c: {  	s22 =	simm.s32 $0x400;
	v15 =	vsub.f32 v17, v18;
	v17 =	vmul.f32 v22, v8;
	v18 =	vadd.f32 v23, v7;
	v13 =	vld [tilespmem:s21+$0x170];
	[tilespmem:s18+$0x2940] =	vst v19  }
.LBB2_5:
0x8d: {  	p2 =	sne.s32 s22, $0x4F00;
	v21 =	vld [tilespmem:s21+$0x1570];
	v19 =	vsub.f32 $0.0e+00, v19;
	v16 =	vmax.f32 v16, $0.0e+00;
	[tilespmem:s20+$0x3D60] =	vst v20;
	s20 =	smov.u32 s18;
	s18 =	smov.u32 s19  }
0x8e: {  	s19 =	smov.u32 s21;
	v22 =	vld [tilespmem:s21+$0x140];
	v15 =	vmul.f32 v15, v2;
	v12 =	vsub.f32 v10, v12;
	v17 =	vadd.f32 v17, v9;
	[tilespmem:s20+$0x2950] =	vst v16  }
0x8f: {  	v16 =	vsub.f32 $0.0e+00, v16;
	v18 =	vmax.f32 v18, $0.0e+00;
	v23 =	vld [tilespmem:s19+$0x1540];
	[tilespmem:s20+$0x3D40] =	vst v19  }
.Ltmp1:
0x90: {  	v10 =	vld [tilespmem:s19+$0x150];
	v19 =	vmul.f32 v12, v4;
	v14 =	vsub.f32 v11, v14;
	v17 =	vmax.f32 v17, $0.0e+00;
	[tilespmem:s20+$0x2960] =	vst v18;
	(pc) =	sbr.rel @p2 .LBB2_5-.Ltmp1, $4  }
0x91: {  	v15 =	vadd.f32 v15, v3;
	v12 =	vld [tilespmem:s19+$0x1550];
	v20 =	vsub.f32 $0.0e+00, v17;
	[tilespmem:s20+$0x3D50] =	vst v16  }
0x92: {  	v11 =	vld [tilespmem:s19+$0x160];
	v21 =	vsub.f32 v13, v21;
	v16 =	vadd.f32 v19, v5;
	v24 =	vmul.f32 v14, v6;
	[tilespmem:s18+$0x2970] =	vst v17  }
0x93: {  	s21 =	sshra.s32 s22, $0x2;
	v19 =	vmax.f32 v15, $0.0e+00;
	v14 =	vld [tilespmem:s19+$0x1560];
	[tilespmem:s18+$0x3D70] =	vst v20;
	v20 =	vsub.f32 $0.0e+00, v18  }
0x94: {  	s22 =	sadd.s32 $0x100, s22;
	v13 =	vld [tilespmem:s21+$0x170];
	v15 =	vsub.f32 v22, v23;
	v17 =	vmul.f32 v21, v8;
	[tilespmem:s18+$0x2940] =	vst v19;
	v18 =	vadd.f32 v24, v7  }
0x95: {  	v21 =	vld [tilespmem:s21+$0x1570];
	[tilespmem:s20+$0x3D60] =	vst v20;
	v16 =	vmax.f32 v16, $0.0e+00;
	v19 =	vsub.f32 $0.0e+00, v19  }
0x96: {  	v20 =	vld [tilespmem:s21+$0x140];
	[tilespmem:s18+$0x2950] =	vst v16;
	v18 =	vmax.f32 v18, $0.0e+00;
	v49 =	vadd.f32 v17, v9  }
0x97: {  	v16 =	vsub.f32 $0.0e+00, v16;
	v10 =	vsub.f32 v10, v12;
	v15 =	vmul.f32 v15, v2;
	v22 =	vld [tilespmem:s21+$0x1540];
	[tilespmem:s18+$0x3D40] =	vst v19  }
0x98: {  	v19 =	vld [tilespmem:s21+$0x150];
	[tilespmem:s18+$0x2960] =	vst v18;
	v11 =	vsub.f32 v11, v14;
	v12 =	vmax.f32 v49, $0.0e+00  }
0x99: {  	v10 =	vmul.f32 v10, v4;
	v15 =	vadd.f32 v15, v3;
	v50 =	vld [tilespmem:s21+$0x1550];
	[tilespmem:s18+$0x3D50] =	vst v16;
	v52 =	vsub.f32 $0.0e+00, v12  }
0x9a: {  	v55 =	vsub.f32 $0.0e+00, v18;
	v51 =	vld [tilespmem:s21+$0x160];
	[tilespmem:s19+$0x2970] =	vst v12;
	v53 =	vsub.f32 v13, v21  }
0x9b: {  	v10 =	vadd.f32 v10, v5;
	v11 =	vmul.f32 v11, v6;
	v15 =	vmax.f32 v15, $0.0e+00;
	v54 =	vld [tilespmem:s21+$0x1560];
	[tilespmem:s19+$0x3D70] =	vst v52  }
0x9c: {  	[tilespmem:s19+$0x2940] =	vst v15;
	v15 =	vsub.f32 $0.0e+00, v15;
	v12 =	vmul.f32 v53, v8  }
0x9d: {  	v56 =	vsub.f32 v20, v22;
	v11 =	vadd.f32 v11, v7;
	v10 =	vmax.f32 v10, $0.0e+00;
	[tilespmem:s18+$0x3D60] =	vst v55  }
0x9e: {  	[tilespmem:s19+$0x2950] =	vst v10;
	v10 =	vsub.f32 $0.0e+00, v10;
	v12 =	vadd.f32 v12, v9  }
0x9f: {  	[tilespmem:s19+$0x3D40] =	vst v15;
	v57 =	vsub.f32 v19, v50;
	v58 =	vmul.f32 v56, v2;
	v11 =	vmax.f32 v11, $0.0e+00  }
0xa0: {  	[tilespmem:s19+$0x2960] =	vst v11;
	v13 =	vsub.f32 v51, v54;
	v12 =	vmax.f32 v12, $0.0e+00  }
0xa1: {  	[tilespmem:s19+$0x3D50] =	vst v10;
	v59 =	vmul.f32 v57, v4;
	v60 =	vadd.f32 v58, v3;
	v61 =	vsub.f32 $0.0e+00, v12  }
0xa2: {  	v11 =	vsub.f32 $0.0e+00, v11;
	[tilespmem:s21+$0x2970] =	vst v12  }
0xa3: {  	v10 =	vadd.f32 v59, v5;
	v62 =	vmul.f32 v13, v6;
	v63 =	vmax.f32 v60, $0.0e+00;
	[tilespmem:s21+$0x3D70] =	vst v61  }
0xa4: {  	[tilespmem:s21+$0x2940] =	vst v63  }
0xa5: {  	v13 =	vsub.f32 $0.0e+00, v63;
	v12 =	vadd.f32 v62, v7;
	v10 =	vmax.f32 v10, $0.0e+00;
	[tilespmem:s19+$0x3D60] =	vst v11  }
0xa6: {  	[tilespmem:s21+$0x2950] =	vst v10  }
0xa7: {  	[tilespmem:s21+$0x3D40] =	vst v13;
	v10 =	vsub.f32 $0.0e+00, v10;
	v11 =	vmax.f32 v12, $0.0e+00  }
0xa8: {  	[tilespmem:s21+$0x2960] =	vst v11;
	v11 =	vsub.f32 $0.0e+00, v11  }
0xa9: {  	[tilespmem:s21+$0x3D50] =	vst v10  }
0xaa: {  	[tilespmem:s21+$0x3D60] =	vst v11  }
0xab: {  	[spmem:s1] =	stream.indirect.scatter.add.f32 [tilespmem:s8], [sflag:$0x3], $0x40, s2, s30, $0xb8;
	[tilespmem:$0x12080] =	vst v63  }
0xac: {  	s17 =	sadd.s32 $0x1, s17;
	_ =	swait.ge [sflag:s26], $0x1400  }
0xad: {  	p2 =	sne.s32 s17, $0xFA;
	[sflag:s26] =	ssyncset.done $0x0  }
.Ltmp2:
0xae: {  	[sflag:s26] =	ssyncadd.s32 $0xFFFFEC00;
	(pc) =	sbr.rel @p2 .LBB2_4-.Ltmp2, $4  }
0xaf: {  	[spmem:s1] =	stream.indirect.scatter.add.f32 [tilespmem:s14], [sflag:$0x3], $0x40, s30, s30, $0xb8;
	[tilespmem:$0x12080] =	vst v63  }
0xb0: {  	_ =	swait.ge [sflag:s26], $0x1400  }
0xb1: {  	[sflag:s26] =	ssyncset.done $0x0  }
0xb2: {  	[sflag:s26] =	ssyncadd.s32 $0xFFFFEC00  }
0xb3: {  	[bflag:$0x0] =	sbarrier.arrive $0xFFFF  }
0xb4: {  	[tilespmem:s25], [sflag:$0x3] =	stream.linear.gather [spmem:s10], $0x3200, $0x38;
	[tilespmem:$0x12080] =	vst v63  }
0xb5: {  	_ =	swait.ge [sflag:s26], $0x3200  }
0xb6: {  	[sflag:s26] =	ssyncset.done $0x0  }
0xb7: {  	s16 =	rddreg [dreg:$0x6];
	[sflag:s26] =	ssyncadd.s32 $0xFFFFCE00  }
0xb8: {  	[hbm4b:s16+s2] =	stream.linear.scatter [tilespmem:s25], [sflag:$0x3], $0x3200, $0x38;
	[tilespmem:$0x12080] =	vst v63  }
0xb9: {  	_ =	swait.ge [sflag:s26], $0x3200  }
0xba: {  	[sflag:s26] =	ssyncset.done $0x0  }
0xbb: {  	[sflag:s26] =	ssyncadd.s32 $0xFFFFCE00  }
0xbc: {  	[tilespmem:s25], [sflag:$0x3] =	stream.linear.gather [spmem:s11], $0x3200, $0x38;
	[tilespmem:$0x12080] =	vst v63  }
0xbd: {  	_ =	swait.ge [sflag:s26], $0x3200  }
0xbe: {  	[sflag:s26] =	ssyncset.done $0x0  }
0xbf: {  	s20 =	rddreg [dreg:$0x7];
	[sflag:s26] =	ssyncadd.s32 $0xFFFFCE00  }
0xc0: {  	[hbm4b:s20+s2] =	stream.linear.scatter [tilespmem:s25], [sflag:$0x3], $0x3200, $0x38;
	[tilespmem:$0x12080] =	vst v63  }
0xc1: {  	_ =	swait.ge [sflag:s26], $0x3200  }
0xc2: {  	[sflag:s26] =	ssyncset.done $0x0  }
0xc3: {  	[sflag:s26] =	ssyncadd.s32 $0xFFFFCE00  }
0xc4: {  	[tilespmem:s25], [sflag:$0x3] =	stream.linear.gather [spmem:s12], $0x3200, $0x38;
	[tilespmem:$0x12080] =	vst v63  }
0xc5: {  	_ =	swait.ge [sflag:s26], $0x3200  }
0xc6: {  	[sflag:s26] =	ssyncset.done $0x0  }
0xc7: {  	s21 =	rddreg [dreg:$0x8];
	[sflag:s26] =	ssyncadd.s32 $0xFFFFCE00  }
0xc8: {  	[hbm4b:s21+s2] =	stream.linear.scatter [tilespmem:s25], [sflag:$0x3], $0x3200, $0x38;
	[tilespmem:$0x12080] =	vst v63  }
0xc9: {  	_ =	swait.ge [sflag:s26], $0x3200  }
0xca: {  	[sflag:s26] =	ssyncset.done $0x0  }
0xcb: {  	s17 =	simm.s32 @!p0 $0x3;
	s16 =	simm.s32 @!p0 $0x5240;
	[sflag:s26] =	ssyncadd.s32 $0xFFFFCE00  }
0xcc: {  	[tilespmem:s16], [sflag:$0x3] =	stream.linear.gather @!p0 [spmem:s13], $0x3200, $0x38;
	[tilespmem:$0x12080] =	vst v63  }
0xcd: {  	_ =	swait.ge @!p0 [sflag:s17], $0x3200  }
0xce: {  	[sflag:s17] =	ssyncset.done @!p0 $0x0  }
0xcf: {  	s18 =	simm.s32 @!p0 $0x0;
	s19 =	rddreg [dreg:$0x9];
	[sflag:s17] =	ssyncadd.s32 @!p0 $0xFFFFCE00  }
0xd0: {  	[hbm4b:s19+s18] =	stream.linear.scatter @!p0 [tilespmem:s16], [sflag:$0x3], $0x3200, $0x38;
	[tilespmem:$0x12080] =	vst v63  }
0xd1: {  	_ =	swait.ge @!p0 [sflag:s17], $0x3200  }
0xd2: {  	s15 =	sadd.s32 $0x1, s15;
	s22 =	rddreg [dreg:$0xa]  }
0xd3: {  	p2 =	sne.s32 s15, s22  }
.Ltmp3:
0xd4: {  	_ = 	snop;
	(pc) =	sbr.rel @p2 .LBB2_1-.Ltmp3, $3  }
0xd5: {  	_ =	sdelay $0x1  }
0xd6: {  	[sflag:s17] =	ssyncset.done @!p0 $0x0  }
0xd7: {  	[sflag:s17] =	ssyncadd.s32 @!p0 $0xFFFFCE00  }
0xd8: {  	_ =	sfence.sel $0x180000  }
0xd9: {  	[bflag:$0x0] =	sbarrier.arrive $0xFFFF  }
0xda: {  	_ =	strace $0x9000004A  }
0xdb: {  	s0 =	stileid.u32;
	[bflag:$0x2] =	sbarrier.arrive $0xFFFF  }
0xdc: {  	p0 =	sne.s32 s0, $0x0;
	s0 =	rddreg [dreg:$0x3]  }
0xdd: {  	s0 =	sadd.s32 @!p0 $0x100000, s0  }
0xde: {  	[sflag:s0] =	ssyncadd.tile.s32 @!p0 $0x1;
	_ =	shalt  }
.Lfunc_end2:
_tile_overlayer_lowered:
.L_overlay_start_2:
0xdf: {  	(tag) =	ssettag $0x2  }
0xe0: {  	s0 =	rddreg [dreg:$0x0];
	s2 =	stileid.u32  }
0xe1: {  	s1 =	rddreg [dreg:$0x1];
	p0 =	sne.s32 s2, $0x0  }
0xe2: {  	s3 =	rddreg [dreg:$0x2];
	[bflag:$0x3] =	sbarrier.arrive $0xFFFF;
	s2 =	simm.s32 @!p0 $0x1C03  }
0xe3: {  	[timem:s3], [sflag:s2] =	dma.local @!p0 [hbm:s0], s1  }
0xe4: {  	s0 =	simm.s32 @!p0 $0x3  }
0xe5: {  	_ =	swait.ge @!p0 [sflag:s0], s1  }
0xe6: {  	s1 =	ssub.s32 @!p0 $0x0, s1;
	[sflag:s0] =	ssyncset.done @!p0 $0x0  }
0xe7: {  	[sflag:s0] =	ssyncadd.s32 @!p0 s1  }
0xe8: {  	[bflag:$0x3] =	sbarrier.arrive $0xFFFF  }
0xe9: {  	_ =	shalt  }

// kernel: kernel.7.cloned.1.call-start
scs
__scs_entry_jumppad:
0x0: {  	(pc) =	sbr.rel $0x88, $3  }
0x1: {  	(tag) =	ssettag $0x0;
	lr =	simm.s32 $0x1  }
0x2: {  	[smem:$0x3F9D] =	sst lr;
	_ =	strace $0xD0000000  }
0x3: {  	_ = 	snop  }
0x4: {  	_ = 	snop  }
0x5: {  	_ = 	snop  }
0x6: {  	_ = 	snop  }
0x7: {  	_ = 	snop  }
__scs_overlays_trampoline_lowered:
0x8: {  	[smem:$0x3FAC] =	sst s0  }
0x9: {  	[smem:$0x3FAD] =	sst s1  }
0xa: {  	[smem:$0x3FAE] =	sst s2  }
0xb: {  	[smem:$0x3FAF] =	sst s3  }
0xc: {  	[smem:$0x3FB0] =	sst s4  }
0xd: {  	[smem:$0x3FB1] =	sst s5  }
0xe: {  	[smem:$0x3FB2] =	sst s6  }
0xf: {  	[smem:$0x3FB3] =	sst s7  }
0x10: {  	[smem:$0x3FB4] =	sst s8  }
0x11: {  	[smem:$0x3FB5] =	sst s9;
	s0 =	simm.s32 @!p0 $0x0  }
0x12: {  	s1 =	sld [smem:$0x3F9B];
	s0 =	simm.s32 @p0 $0x1  }
0x13: {  	[smem:$0x3FB6] =	sst s0;
	s0 =	simm.s32 @!p1 $0x0  }
0x14: {  	s2 =	sld [smem:$0x3F9A];
	s0 =	simm.s32 @p1 $0x1  }
0x15: {  	[smem:$0x3FB7] =	sst s0;
	s0 =	simm.s32 @!p2 $0x0  }
0x16: {  	s3 =	sld [smem:$0x3FDB];
	s0 =	simm.s32 @p2 $0x1  }
0x17: {  	s4 =	simm.s32 $0x1BF5;
	[smem:$0x3FB9] =	sst s0  }
0x18: {  	s0 =	sld [smem:$0x3F9C];
	_ =	swait.ge [sflag:s4], $0x0  }
0x19: {  	s7 =	sld [smem:$0x3F9D]  }
0x1a: {  	s8 =	sadd.s32 $0xFFFFE003, lr  }
0x1b: {  	s9 =	sadd.s32 $0xFFFFFEF7, lr;
	s5 =	simm.s32 $0xFFFFFFFF;
	p2 =	slt.u32 s8, $0xFFFFF086  }
0x1c: {  	p1 =	slt.u32 s9, $0xF7A;
	s5 =	simm.s32 @!p2 $0x0  }
0x1d: {  	s5 =	simm.s32 @p1 $0x1;
	p0 =	seq.s32 s7, s2  }
0x1e: {  	s7 =	smul.u32 @!p0 $0xF7A, s2;
	p2 =	seq.s32 @!p0 s5, $0x0  }
0x1f: {  	s9 =	smul.u32 $0xF7A, s1;
	s8 =	simm.s32 @!p0 $0x1BF5;
	p2 =	por !p2, p0  }
0x20: {  	[sflag:s8] =	ssyncset.s32 @!p0 $0xFFFFF086;
	s6 =	sadd.s32 @!p0 s3, s7;
	s7 =	simm.s32 @!p0 $0x108  }
0x21: {  	s3 =	sadd.s32 s3, s9;
	s6 =	sadd.s32 @!p0 $0x88, s6;
	s7 =	simm.s32 @p2 $0x1082  }
0x22: {  	[simem:s7], [sflag:s8] =	dma.local @!p0 [hbm:s6], $0xF7A  }
0x23: {  	s9 =	sor.u32 $0xD0000000, s2;
	s6 =	simm.s32 $0x108;
	_ =	swait.ge @!p0 [sflag:s8], $0x0  }
0x24: {  	s3 =	sadd.s32 $0x88, s3;
	s6 =	simm.s32 @!p1 $0x1082;
	[sflag:s4] =	ssyncset.s32 $0xFFFFF086  }
0x25: {  	[simem:s6], [sflag:s4] =	dma.local [hbm:s3], $0xF7A  }
0x26: {  	[smem:$0x3F9D] =	sst s1;
	(tag) =	ssettag s2;
	_ =	strace s9  }
0x27: {  	s1 =	sld [smem:$0x3FAD]  }
0x28: {  	s2 =	sld [smem:$0x3FAE]  }
0x29: {  	s4 =	sld [smem:$0x3FB0]  }
0x2a: {  	p0 =	seq.s32 s5, $0x0;
	s5 =	sld [smem:$0x3FB1]  }
0x2b: {  	s6 =	sld [smem:$0x3FB2]  }
0x2c: {  	s7 =	sld [smem:$0x3FB3]  }
0x2d: {  	s3 =	simm.s32 $0x108;
	s8 =	sld [smem:$0x3FB4]  }
0x2e: {  	s3 =	simm.s32 @!p0 $0x1082;
	s9 =	sld [smem:$0x3FB5]  }
0x2f: {  	lr =	sadd.s32 s0, s3;
	s0 =	sld [smem:$0x3FAC]  }
0x30: {  	s3 =	sld [smem:$0x3FAF]  }
0x31: {  	[smem:$0x3FB8] =	sst s10  }
0x32: {  	s10 =	sld [smem:$0x3FB6];
	_ =	sdelay $0x3  }
0x33: {  	p0 =	seq.s32 s10, $0x1;
	s10 =	sld [smem:$0x3FB8];
	_ =	sdelay $0x3  }
0x34: {  	[smem:$0x3FB8] =	sst s10  }
0x35: {  	s10 =	sld [smem:$0x3FB7];
	_ =	sdelay $0x3  }
0x36: {  	p1 =	seq.s32 s10, $0x1;
	s10 =	sld [smem:$0x3FB8];
	_ =	sdelay $0x3  }
0x37: {  	[smem:$0x3FB8] =	sst s10  }
0x38: {  	s10 =	sld [smem:$0x3FB9]  }
0x39: {  	_ = 	snop;
	(pc) =	sbr.ind lr, $3  }
0x3a: {  	_ = 	snop  }
0x3b: {  	_ = 	snop  }
0x3c: {  	p2 =	seq.s32 s10, $0x1;
	s10 =	sld [smem:$0x3FB8]  }
0x3d: {  	_ =	shalt  }
0x3e: {  	_ =	shalt  }
0x3f: {  	_ =	shalt  }
0x40: {  	_ =	shalt  }
0x41: {  	_ =	shalt  }
0x42: {  	_ =	shalt  }
0x43: {  	_ =	shalt  }
0x44: {  	_ =	shalt  }
0x45: {  	_ =	shalt  }
0x46: {  	_ =	shalt  }
0x47: {  	_ =	shalt  }
0x48: {  	_ =	shalt  }
0x49: {  	_ =	shalt  }
0x4a: {  	_ =	shalt  }
0x4b: {  	_ =	shalt  }
0x4c: {  	_ =	shalt  }
0x4d: {  	_ =	shalt  }
0x4e: {  	_ =	shalt  }
0x4f: {  	_ =	shalt  }
0x50: {  	_ =	shalt  }
0x51: {  	_ =	shalt  }
0x52: {  	_ =	shalt  }
0x53: {  	_ =	shalt  }
0x54: {  	_ =	shalt  }
0x55: {  	_ =	shalt  }
0x56: {  	_ =	shalt  }
0x57: {  	_ =	shalt  }
0x58: {  	_ =	shalt  }
0x59: {  	_ =	shalt  }
0x5a: {  	_ =	shalt  }
0x5b: {  	_ =	shalt  }
0x5c: {  	_ =	shalt  }
0x5d: {  	_ =	shalt  }
0x5e: {  	_ =	shalt  }
0x5f: {  	_ =	shalt  }
0x60: {  	_ =	shalt  }
0x61: {  	_ =	shalt  }
0x62: {  	_ =	shalt  }
0x63: {  	_ =	shalt  }
0x64: {  	_ =	shalt  }
0x65: {  	_ =	shalt  }
0x66: {  	_ =	shalt  }
0x67: {  	_ =	shalt  }
0x68: {  	_ =	shalt  }
0x69: {  	_ =	shalt  }
0x6a: {  	_ =	shalt  }
0x6b: {  	_ =	shalt  }
0x6c: {  	_ =	shalt  }
0x6d: {  	_ =	shalt  }
0x6e: {  	_ =	shalt  }
0x6f: {  	_ =	shalt  }
0x70: {  	_ =	shalt  }
0x71: {  	_ =	shalt  }
0x72: {  	_ =	shalt  }
0x73: {  	_ =	shalt  }
0x74: {  	_ =	shalt  }
0x75: {  	_ =	shalt  }
0x76: {  	_ =	shalt  }
0x77: {  	_ =	shalt  }
0x78: {  	_ =	shalt  }
0x79: {  	_ =	shalt  }
0x7a: {  	_ =	shalt  }
0x7b: {  	_ =	shalt  }
0x7c: {  	_ =	shalt  }
0x7d: {  	_ =	shalt  }
0x7e: {  	_ =	shalt  }
0x7f: {  	_ =	shalt  }
0x80: {  	_ =	shalt  }
0x81: {  	_ =	shalt  }
0x82: {  	_ =	shalt  }
0x83: {  	_ =	shalt  }
0x84: {  	_ =	shalt  }
0x85: {  	_ =	shalt  }
0x86: {  	_ =	shalt  }
0x87: {  	_ =	shalt  }
.Lfunc_end0:
.L_simem_size_0:
called_computation_lowered:
.L_overlay_start_0:
0x88: {  	s2 =	sld [smem:$0x3FD9]  }
0x89: {  	s3 =	sld [smem:$0x3FFE];
	_ =	sdelay $0x1  }
0x8a: {  	s1 =	srdreg.scid  }
0x8b: {  	s0 =	sand.u32 $0x1, s1  }
0x8c: {  	s17 =	sshll.u32 s0, $0xA;
	s2 =	sadd.s32 s3, s2  }
0x8d: {  	s2 =	sadd.s32 s2, s17  }
0x8e: {  	[smem:$0x3FC4] =	sst s2  }
0x8f: {  	_ = 	snop  }
0x90: {  	s2 =	sld [smem:$0x3FD0];
	(tm) =	ssettm $0x1  }
0x91: {  	s18 =	sld [smem:$0x3FFB];
	_ =	sdelay $0x3  }
0x92: {  	_ =	strace s18  }
0x93: {  	s3 =	sld [smem:$0x3FFC];
	_ =	sdelay $0x3  }
0x94: {  	_ =	strace s3  }
0x95: {  	s3 =	sld [smem:$0x3FFD];
	_ =	sdelay $0x3  }
0x96: {  	_ =	strace s3  }
0x97: {  	_ =	strace $0x8FFFFFFF  }
0x98: {  	s19 =	sld [smem:$0x3FDB];
	_ =	sdelay $0x1  }
0x99: {  	s4 =	simm.s32 $_scs_section_size  }
0x9a: {  	s5 =	simm.s32 $_size__tile_overlayer_lowered;
	s6 =	simm.s32 $_tile_overlayer_lowered  }
0x9b: {  	s22 =	simm.s32 $0x1BFF;
	s21 =	sshll.u32 s6, $0x1;
	s3 =	sadd.s32 s4, s19  }
0x9c: {  	s7 =	simm.s32 $0x0;
	s20 =	sshll.u32 s5, $0x1;
	s5 =	sadd.s32 s21, s3  }
0x9d: {  	[timem:s7], [sflag:s22] =	dma.local [hbm:s5], s20  }
0x9e: {  	_ =	swait.ge [sflag:s22], s20  }
0x9f: {  	s4 =	ssub.s32 $0x0, s20;
	[sflag:s22] =	ssyncset.done $0x0  }
0xa0: {  	[sflag:s22] =	ssyncadd.s32 s4;
	_ =	sdelay $0x1  }
0xa1: {  	s23 =	simm.s32 $0x1B8B  }
0xa2: {  	_ =	swait.ge [sflag:s23], $0x1  }
0xa3: {  	[sflag:s23] =	ssyncset.done $0x0  }
0xa4: {  	s25 =	simm.s32 $0x1B8E;
	s24 =	sld [smem:$0x3FFE];
	[sflag:s23] =	ssyncadd.s32 $0xFFFFFFFF  }
0xa5: {  	s26 =	simm.s32 $execute0_lowered;
	[smem:$0x3FD2] =	sst s25  }
0xa6: {  	s5 =	sshll.u32 s26, $0x1;
	_ =	strace $0x80000046;
	[dreg:$0x1] =	wrdreg $0xFFFFFFFF  }
0xa7: {  	s28 =	simm.s32 $_size_execute0_lowered;
	s3 =	sadd.s32 s3, s5;
	[dreg:$0x0] =	wrdreg $0x0  }
0xa8: {  	s5 =	sshll.u32 s28, $0x1;
	[dreg:$0x2] =	wrdreg s3  }
0xa9: {  	[dreg:$0x3] =	wrdreg s5  }
0xaa: {  	[dreg:$0x4] =	wrdreg $0xC0  }
0xab: {  	_ =	task [dreg:s7], $0x5FFFF  }
0xac: {  	[dreg:$0x1] =	wrdreg $0xFFFFFFFF  }
0xad: {  	[dreg:$0x0] =	wrdreg $0x60  }
0xae: {  	[dreg:$0x2] =	wrdreg s2  }
0xaf: {  	[dreg:$0x3] =	wrdreg s24  }
0xb0: {  	[dreg:$0x4] =	wrdreg $0x9  }
0xb1: {  	_ =	task.clear_ibuf [dreg:s7], $0x5FFFF;
	_ =	strace $0x90000046  }
0xb2: {  	s29 =	simm.s32 $0x9;
	_ =	strace $0x80000048  }
0xb3: {  	_ =	swait.ge [sflag:s29], $0x1  }
0xb4: {  	[sflag:s29] =	ssyncadd.s32 $0xFFFFFFFF  }
0xb5: {  	_ =	strace $0x90000048  }
0xb6: {  	_ =	sfence  }
0xb7: {  	s30 =	sld [smem:$0x0];
	_ =	sdelay $0x2  }
0xb8: {  	s31 =	sshll.u32 s1, $0xD;
	s1 =	sshrl.u32 s1, $0x2  }
0xb9: {  	s3 =	sand.u32 $0x4000, s31;
	s1 =	sadd.s32 s1, s30  }
0xba: {  	s0 =	sor.u32 s3, s0;
	s1 =	sshll.u32 s1, $0x11  }
0xbb: {  	s0 =	sor.u32 s1, s0  }
0xbc: {  	s0 =	sadd.s32 $0x8F2B, s0  }
0xbd: {  	[sflag:s0] =	ssyncadd.remote.s32 $0x1  }
0xbe: {  	_ =	sfence.sel $0xFFFF  }
0xbf: {  	[dreg:$0x0] =	wrdreg $0xFFFFFFFF;
	(pc) =	sbr.abs _section_cstart, $3  }
0xc0: {  	[dreg:$0x1] =	wrdreg $0xFFFFFFFF  }
0xc1: {  	_ =	task.clear_ibuf [dreg:s7], $0x2FFFF;
	_ =	strace $0x9FFFFFFF  }
0xc2: {  	(tm) =	ssettm $0x7FFFFFFF  }
0xc3: {  	_ =	shalt  }
tec
execute0_lowered:
.L_overlay_start_1:
0x0: {  	(tag) =	ssettag $0x1  }
0x1: {  	s1 =	rddreg [dreg:$0x0]  }
0x2: {  	s6 =	rddreg [dreg:$0x1]  }
0x3: {  	s0 =	rddreg [dreg:$0x2]  }
0x4: {  	s3 =	simm.s32 $0x0;
	s4 =	srdreg.scid;
	s2 =	stileid.u32  }
0x5: {  	s10 =	simm.s32 $0x3;
	s11 =	simm.s32 $0x80;
	s12 =	simm.s32 $0x50  }
0x6: {  	s13 =	simm.s32 $0x100;
	s14 =	simm.s32 $0x2900;
	s15 =	simm.s32 $0x1  }
0x7: {  	s16 =	simm.s32 $0x2;
	s17 =	simm.s32 $0x5100;
	s18 =	simm.s32 $0x5180  }
0x8: {  	s19 =	simm.s32 $0x0;
	s23 =	simm.s32 $0x0;
	[smem:$0x7FF] =	sst s3  }
0x9: {  	s5 =	sand.u32 $0x1, s4;
	s30 =	sshll.u32 s2, $0x1;
	s4 =	sadd.s32 $0xBE00, s6  }
0xa: {  	_ =	strace $0x80000047;
	s7 =	sor.u32 s5, s30;
	s9 =	ssub.s32 $0x2, s5  }
0xb: {  	s5 =	sadd.s32 $0x2000, s6;
	s8 =	sshll.u32 s7, $0x4;
	s31 =	sshrl.u32 s9, $0x1  }
0xc: {  	s8 =	sadd.s32 s8, s6;
	s9 =	ssub.s32 s9, s31;
	s6 =	smul.u32 $0x2710, s7  }
0xd: {  	s7 =	sadd.s32 $0x15C00, s8;
	s8 =	sadd.s32 $0x15E00, s8;
	s9 =	smax.u32 s9, $0x1  }
.LBB2_1:
0xe: {  	v9 =	vimm.f32 $0.0e+00  }
0xf: {  	v0 =	vimm.f32 $0.0e+00;
	v1 =	vimm.f32 $0.0e+00;
	v3 =	vimm.f32 $0.0e+00  }
0x10: {  	v4 =	vimm.f32 $0.0e+00;
	v15 =	vimm.f32 $0.0e+00;
	v14 =	vimm.f32 $0.0e+00  }
0x11: {  	v10 =	vimm.f32 $0.0e+00;
	v8 =	vimm.f32 $0.0e+00;
	v2 =	vimm.f32 $0.0e+00  }
0x12: {  	v5 =	vimm.f32 $0.0e+00;
	v6 =	vimm.f32 $0.0e+00;
	v7 =	vimm.f32 $0.0e+00  }
0x13: {  	v13 =	vimm.f32 $0.0e+00;
	v11 =	vimm.f32 $0.0e+00;
	v12 =	vimm.f32 $0.0e+00;
	s20 =	simm.s32 $0x0  }
.LBB2_2:
0x14: {  	s21 =	smul.u32 $0x50, s20;
	_ =	sdelay $0x1  }
0x15: {  	s21 =	sadd.s32 s6, s21  }
0x16: {  	s21 =	sshrl.u32 s21, $0x3  }
0x17: {  	s22 =	sadd.s32 s4, s21  }
0x18: {  	[tilespmem:s23], [sflag:$0x3] =	stream.linear.gather [hbm4b:s22+s23], $0x50, $0x38;
	[tilespmem:$0x5200] =	vst v63  }
0x19: {  	_ =	swait.ge [sflag:s10], $0x50  }
0x1a: {  	[sflag:s10] =	ssyncset.done $0x0  }
0x1b: {  	s21 =	sadd.s32 s5, s21;
	[sflag:s10] =	ssyncadd.s32 $0xFFFFFFB0  }
0x1c: {  	[tilespmem:s11], [sflag:$0x3] =	stream.linear.gather [hbm4b:s21+s23], $0x50, $0x38;
	[tilespmem:$0x5200] =	vst v63  }
0x1d: {  	_ =	swait.ge [sflag:s10], $0x50  }
0x1e: {  	[sflag:s10] =	ssyncset.done $0x0  }
0x1f: {  	[sflag:s10] =	ssyncadd.s32 $0xFFFFFFB0  }
0x20: {  	[tilespmem:s13], [sflag:$0x1] =	stream.indirect.gather [hbm4b:s1+s12], $0x80, s23, s12, $0xb8;
	[tilespmem:$0x5200] =	vst v63  }
0x21: {  	_ = 	snop  }
0x22: {  	[tilespmem:s14], [sflag:$0x2] =	stream.indirect.gather [hbm4b:s1+s12], $0x80, s11, s12, $0xb8;
	[tilespmem:$0x5200] =	vst v63  }
0x23: {  	_ =	swait.ge [sflag:s15], $0x2800  }
0x24: {  	[sflag:s15] =	ssyncset.done $0x0  }
0x25: {  	[sflag:s15] =	ssyncadd.s32 $0xFFFFD800  }
0x26: {  	_ =	swait.ge [sflag:s16], $0x2800  }
0x27: {  	[sflag:s16] =	ssyncset.done $0x0  }
0x28: {  	s31 =	simm.s32 $0x0;
	[sflag:s16] =	ssyncadd.s32 $0xFFFFD800  }
0x29: {  	v16 =	vld [tilespmem:s31+$0x170]  }
0x2a: {  	v17 =	vld [tilespmem:s31+$0x2970]  }
0x2b: {  	v18 =	vld [tilespmem:s31+$0x100]  }
0x2c: {  	v19 =	vld [tilespmem:s31+$0x2900]  }
0x2d: {  	v20 =	vld [tilespmem:s31+$0x110]  }
0x2e: {  	v21 =	vld [tilespmem:s31+$0x2910]  }
0x2f: {  	v22 =	vld [tilespmem:s31+$0x120]  }
0x30: {  	v23 =	vld [tilespmem:s31+$0x2920]  }
0x31: {  	v24 =	vld [tilespmem:s31+$0x2930]  }
0x32: {  	v25 =	vld [tilespmem:s31+$0x140]  }
0x33: {  	v16 =	vsub.f32 v16, v17;
	v17 =	vld [tilespmem:s31+$0x130]  }
0x34: {  	v27 =	vld [tilespmem:s31+$0x2940];
	v18 =	vsub.f32 v18, v19  }
0x35: {  	v20 =	vsub.f32 v20, v21;
	v22 =	vsub.f32 v22, v23;
	v19 =	vmul.f32 v16, v16  }
0x36: {  	v8 =	vadd.f32 v16, v8;
	v26 =	vmul.f32 v18, v18;
	v16 =	vld [tilespmem:s31+$0x150];
	v12 =	vadd.f32 v18, v12  }
0x37: {  	v23 =	vmul.f32 v20, v20;
	v11 =	vadd.f32 v20, v11;
	v9 =	vadd.f32 v19, v9;
	v19 =	vld [tilespmem:s31+$0x2950]  }
0x38: {  	v63 =	vmul.f32 v22, v22;
	v18 =	vld [tilespmem:s31+$0x160];
	v13 =	vadd.f32 v22, v13;
	v21 =	vsub.f32 v17, v24  }
0x39: {  	s21 =	simm.s32 $0x80;
	v20 =	vld [tilespmem:s31+$0x2960];
	v22 =	vsub.f32 v25, v27;
	v10 =	vadd.f32 v26, v10  }
0x3a: {  	s22 =	simm.s32 $0x400;
	v14 =	vadd.f32 v23, v14;
	v15 =	vadd.f32 v63, v15;
	v17 =	vld [tilespmem:s21+$0x170];
	v23 =	vmul.f32 v21, v21  }
.LBB2_3:
0x3b: {  	p0 =	sne.s32 s22, $0x9E00;
	v24 =	vld [tilespmem:s21+$0x2970];
	v7 =	vadd.f32 v21, v7  }
0x3c: {  	v21 =	vld [tilespmem:s21+$0x100];
	v4 =	vadd.f32 v23, v4;
	v23 =	vmul.f32 v22, v22;
	v16 =	vsub.f32 v16, v19  }
0x3d: {  	v6 =	vadd.f32 v22, v6;
	v19 =	vld [tilespmem:s21+$0x2900]  }
0x3e: {  	v22 =	vld [tilespmem:s21+$0x110];
	v3 =	vadd.f32 v23, v3;
	v23 =	vmul.f32 v16, v16;
	v18 =	vsub.f32 v18, v20  }
0x3f: {  	v5 =	vadd.f32 v16, v5;
	v20 =	vld [tilespmem:s21+$0x2910]  }
0x40: {  	v16 =	vld [tilespmem:s21+$0x120];
	v17 =	vsub.f32 v17, v24;
	v1 =	vadd.f32 v23, v1;
	v23 =	vmul.f32 v18, v18  }
0x41: {  	v2 =	vadd.f32 v18, v2;
	v24 =	vld [tilespmem:s21+$0x2920]  }
0x42: {  	v18 =	vsub.f32 v21, v19;
	v21 =	vld [tilespmem:s21+$0x130];
	v19 =	vmul.f32 v17, v17;
	v0 =	vadd.f32 v23, v0  }
0x43: {  	v8 =	vadd.f32 v17, v8;
	v23 =	vld [tilespmem:s21+$0x2930]  }
0x44: {  	v17 =	vmul.f32 v18, v18;
	v20 =	vsub.f32 v22, v20;
	v22 =	vld [tilespmem:s21+$0x140];
	v9 =	vadd.f32 v19, v9  }
0x45: {  	v12 =	vadd.f32 v18, v12;
	v25 =	vld [tilespmem:s21+$0x2940]  }
.Ltmp0:
0x46: {  	v10 =	vadd.f32 v17, v10;
	v17 =	vmul.f32 v20, v20;
	v24 =	vsub.f32 v16, v24;
	v16 =	vld [tilespmem:s21+$0x150];
	(pc) =	sbr.rel @p0 .LBB2_3-.Ltmp0, $4  }
0x47: {  	v11 =	vadd.f32 v20, v11;
	v19 =	vld [tilespmem:s21+$0x2950]  }
0x48: {  	v14 =	vadd.f32 v17, v14;
	v26 =	vmul.f32 v24, v24;
	v21 =	vsub.f32 v21, v23;
	v18 =	vld [tilespmem:s21+$0x160]  }
0x49: {  	v13 =	vadd.f32 v24, v13;
	v20 =	vld [tilespmem:s21+$0x2960];
	s21 =	sshra.s32 s22, $0x2  }
0x4a: {  	s22 =	sadd.s32 $0x200, s22;
	v17 =	vld [tilespmem:s21+$0x170];
	v15 =	vadd.f32 v26, v15;
	v23 =	vmul.f32 v21, v21;
	v22 =	vsub.f32 v22, v25  }
0x4b: {  	v24 =	vld [tilespmem:s21+$0x2970]  }
0x4c: {  	v25 =	vld [tilespmem:s21+$0x100]  }
0x4d: {  	v26 =	vld [tilespmem:s21+$0x2900]  }
0x4e: {  	v27 =	vld [tilespmem:s21+$0x110]  }
0x4f: {  	v28 =	vld [tilespmem:s21+$0x2910]  }
0x50: {  	v29 =	vld [tilespmem:s21+$0x120]  }
0x51: {  	v48 =	vld [tilespmem:s21+$0x130]  }
0x52: {  	v49 =	vld [tilespmem:s21+$0x2930]  }
0x53: {  	v7 =	vadd.f32 v21, v7;
	v51 =	vld [tilespmem:s21+$0x140];
	v47 =	vmul.f32 v22, v22;
	v16 =	vsub.f32 v16, v19  }
0x54: {  	v52 =	vld [tilespmem:s21+$0x2940];
	v4 =	vadd.f32 v23, v4;
	v6 =	vadd.f32 v22, v6  }
0x55: {  	v57 =	vld [tilespmem:s21+$0x160];
	v18 =	vsub.f32 v18, v20;
	v3 =	vadd.f32 v47, v3;
	v50 =	vmul.f32 v16, v16  }
0x56: {  	v58 =	vld [tilespmem:s21+$0x2960];
	v5 =	vadd.f32 v16, v5;
	v16 =	vsub.f32 v17, v24  }
0x57: {  	v30 =	vld [tilespmem:s21+$0x2920];
	v1 =	vadd.f32 v50, v1;
	v53 =	vsub.f32 v25, v26  }
0x58: {  	v17 =	vmul.f32 v18, v18;
	v2 =	vadd.f32 v18, v2;
	v56 =	vsub.f32 v27, v28  }
0x59: {  	v54 =	vld [tilespmem:s21+$0x150];
	v19 =	vsub.f32 v48, v49;
	v61 =	vsub.f32 v51, v52;
	v55 =	vmul.f32 v16, v16  }
0x5a: {  	v0 =	vadd.f32 v17, v0;
	v17 =	vld [tilespmem:s21+$0x2950];
	v8 =	vadd.f32 v16, v8;
	v16 =	vmul.f32 v53, v53  }
0x5b: {  	v18 =	vsub.f32 v57, v58;
	v12 =	vadd.f32 v53, v12  }
0x5c: {  	v59 =	vmul.f32 v56, v56;
	v10 =	vadd.f32 v16, v10;
	v16 =	vsub.f32 v29, v30  }
0x5d: {  	s20 =	sadd.s32 $0x1, s20;
	v11 =	vadd.f32 v56, v11;
	v62 =	vmul.f32 v61, v61;
	v7 =	vadd.f32 v19, v7  }
0x5e: {  	p0 =	sne.s32 s20, $0x7D;
	v6 =	vadd.f32 v61, v6;
	v2 =	vadd.f32 v18, v2;
	v60 =	vmul.f32 v16, v16  }
.Ltmp1:
0x5f: {  	v13 =	vadd.f32 v16, v13;
	v16 =	vmul.f32 v19, v19;
	v17 =	vsub.f32 v54, v17;
	(pc) =	sbr.rel @p0 .LBB2_2-.Ltmp1, $4  }
0x60: {  	v63 =	vmul.f32 v18, v18;
	v9 =	vadd.f32 v55, v9;
	v14 =	vadd.f32 v59, v14  }
0x61: {  	v3 =	vadd.f32 v62, v3;
	v4 =	vadd.f32 v16, v4;
	v16 =	vmul.f32 v17, v17  }
0x62: {  	v0 =	vadd.f32 v63, v0;
	v15 =	vadd.f32 v60, v15  }
0x63: {  	v5 =	vadd.f32 v17, v5;
	v1 =	vadd.f32 v16, v1  }
0x64: {  	[tilespmem:$0x5100] =	vst v12  }
0x65: {  	[tilespmem:$0x5180] =	vst v10  }
0x66: {  	[tilespmem:$0x5110] =	vst v11  }
0x67: {  	[tilespmem:$0x5190] =	vst v14  }
0x68: {  	[tilespmem:$0x5120] =	vst v13  }
0x69: {  	[tilespmem:$0x51A0] =	vst v15  }
0x6a: {  	[tilespmem:$0x5130] =	vst v7  }
0x6b: {  	[tilespmem:$0x51B0] =	vst v4  }
0x6c: {  	[tilespmem:$0x5140] =	vst v6  }
0x6d: {  	[tilespmem:$0x51C0] =	vst v3  }
0x6e: {  	[tilespmem:$0x5160] =	vst v2  }
0x6f: {  	[tilespmem:$0x51E0] =	vst v0  }
0x70: {  	[tilespmem:$0x5170] =	vst v8  }
0x71: {  	[tilespmem:$0x51F0] =	vst v9  }
0x72: {  	[tilespmem:$0x5150] =	vst v5  }
0x73: {  	[tilespmem:$0x51D0] =	vst v1  }
0x74: {  	[hbm4b:s7+s3] =	stream.linear.scatter [tilespmem:s17], [sflag:$0x3], $0x80, $0x38;
	[tilespmem:$0x5200] =	vst v63  }
0x75: {  	s19 =	sadd.s32 $0x1, s19;
	_ =	swait.ge [sflag:s10], $0x80  }
0x76: {  	p0 =	sne.s32 s19, s9;
	[sflag:s10] =	ssyncset.done $0x0  }
.Ltmp2:
0x77: {  	[sflag:s10] =	ssyncadd.s32 $0xFFFFFF80;
	(pc) =	sbr.rel @p0 .LBB2_1-.Ltmp2, $4  }
0x78: {  	[hbm4b:s8+s3] =	stream.linear.scatter [tilespmem:s18], [sflag:$0x3], $0x80, $0x38;
	[tilespmem:$0x5200] =	vst v63  }
0x79: {  	_ =	swait.ge [sflag:s10], $0x80  }
0x7a: {  	[sflag:s10] =	ssyncset.done $0x0  }
0x7b: {  	[sflag:s10] =	ssyncadd.s32 $0xFFFFFF80  }
0x7c: {  	_ =	sfence.sel $0x180000  }
0x7d: {  	[bflag:$0x0] =	sbarrier.arrive $0xFFFF  }
0x7e: {  	p0 =	sne.s32 s2, $0x0;
	_ =	strace $0x90000047  }
0x7f: {  	s0 =	sadd.s32 @!p0 $0x100000, s0;
	[bflag:$0x2] =	sbarrier.arrive $0xFFFF  }
0x80: {  	[sflag:s0] =	ssyncadd.tile.s32 @!p0 $0x1;
	_ =	shalt  }
.Lfunc_end2:
_tile_overlayer_lowered:
.L_overlay_start_2:
0x81: {  	(tag) =	ssettag $0x2  }
0x82: {  	s0 =	rddreg [dreg:$0x0];
	s2 =	stileid.u32  }
0x83: {  	s1 =	rddreg [dreg:$0x1];
	p0 =	sne.s32 s2, $0x0  }
0x84: {  	s3 =	rddreg [dreg:$0x2];
	[bflag:$0x3] =	sbarrier.arrive $0xFFFF;
	s2 =	simm.s32 @!p0 $0x1C03  }
0x85: {  	[timem:s3], [sflag:s2] =	dma.local @!p0 [hbm:s0], s1  }
0x86: {  	s0 =	simm.s32 @!p0 $0x3  }
0x87: {  	_ =	swait.ge @!p0 [sflag:s0], s1  }
0x88: {  	s1 =	ssub.s32 @!p0 $0x0, s1;
	[sflag:s0] =	ssyncset.done @!p0 $0x0  }
0x89: {  	[sflag:s0] =	ssyncadd.s32 @!p0 s1  }
0x8a: {  	[bflag:$0x3] =	sbarrier.arrive $0xFFFF  }
0x8b: {  	_ =	shalt  }

</sc_bundles>
